<compile_context>
chip_gen: v7x
topology: tpu7x:2x2x1
jax: 0.10.2.dev20260603
libtpu: 0.0.44.dev20260713+nightly
codegen_flags: <defaults>
</compile_context>

<pallas_src>
import jax
import jax.numpy as jnp
from jax import lax
from jax.experimental import pallas as pl
from jax.experimental.pallas import tpu as pltpu
from jax.experimental.pallas import tpu_sc as plsc

B = 1024
L = 200
NUM_CLASSES = 100000
NGROUP = 25
WPR = NGROUP * 128
NC = 2
NS = 16
NW = NC * NS
ROWS_PER_W = B // NW
LPAD = 208
NVEC = LPAD // 16
NBUF = 2
SLAB = 8
SLABS_PER_W = ROWS_PER_W // SLAB
SLAB_WORDS = SLAB * WPR


def _sc_body(idx_hbm, out_hbm, idx_v, stage, sem):
    wid = lax.axis_index("s") * NC + lax.axis_index("c")
    base = wid * ROWS_PER_W

    pltpu.sync_copy(idx_hbm.at[pl.ds(base, ROWS_PER_W)], idx_v)

    zero16 = jnp.zeros((16,), jnp.int32)
    ones_m = jnp.ones((16,), jnp.bool_)

    def init_zero(i, c):
        stage[pl.ds(i * 16, 16)] = zero16
        return c

    lax.fori_loop(0, NBUF * SLAB_WORDS // 16, init_zero, 0)

    def bitmap_pos(c_idx, boff, r8):
        w = boff + r8 * WPR + ((c_idx >> 12) << 7) + ((c_idx >> 2) & 127)
        bit = jnp.int32(1) << (((c_idx & 3) << 3) + ((c_idx >> 9) & 7))
        return w, bit

    def per_slab(s, c):
        b = lax.rem(s, NBUF)
        boff = b * SLAB_WORDS

        @pl.when(s >= NBUF)
        def _():
            pltpu.make_async_copy(
                stage.at[pl.ds(boff, SLAB_WORDS)],
                out_hbm.at[pl.ds(base * WPR + s * SLAB_WORDS, SLAB_WORDS)],
                sem,
            ).wait()

            def rezero_row(r8, c2):
                lr = (s - NBUF) * SLAB + r8
                for k in range(NVEC):
                    iv = idx_v[lr, pl.ds(k * 16, 16)]
                    w, _ = bitmap_pos(iv, boff, r8)
                    plsc.store_scatter(stage, [w], zero16)
                return c2

            lax.fori_loop(0, SLAB, rezero_row, 0)

        def scatter_row(r8, c2):
            lr = s * SLAB + r8
            for k in range(NVEC):
                iv = idx_v[lr, pl.ds(k * 16, 16)]
                w, bit = bitmap_pos(iv, boff, r8)

                def cond(carry):
                    return jnp.any(carry)

                def body(m):
                    old = plsc.load_gather(stage, [w])
                    plsc.store_scatter(stage, [w], old | bit, mask=m)
                    back = plsc.load_gather(stage, [w])
                    return jnp.logical_and(m, (back & bit) != bit)

                lax.while_loop(cond, body, ones_m)
            return c2

        lax.fori_loop(0, SLAB, scatter_row, 0)

        pltpu.make_async_copy(
            stage.at[pl.ds(boff, SLAB_WORDS)],
            out_hbm.at[pl.ds(base * WPR + s * SLAB_WORDS, SLAB_WORDS)],
            sem,
        ).start()
        return c

    lax.fori_loop(0, SLABS_PER_W, per_slab, 0)

    def drain(k, c):
        pltpu.make_async_copy(
            stage.at[pl.ds(lax.rem(k, NBUF) * SLAB_WORDS, SLAB_WORDS)],
            out_hbm.at[pl.ds(base * WPR + k * SLAB_WORDS, SLAB_WORDS)],
            sem,
        ).wait()
        return c

    lax.fori_loop(0, NBUF, drain, 0)


def _tc_body(bm_ref, out_ref):
    xt = bm_ref[...]
    ow = out_ref.bitcast(jnp.int32)
    lanes = jnp.int32(0x01010101)
    for j in range(8):
        ow[128 * j:128 * (j + 1), :] = (xt >> j) & lanes


def kernel(indices):
    indices = indices.astype(jnp.int32)
    pad = jnp.broadcast_to(indices[:, -1:], (B, LPAD - L))
    idx2 = jnp.concatenate([indices, pad], axis=1)

    mesh = plsc.VectorSubcoreMesh(core_axis_name="c", subcore_axis_name="s")
    sc = pl.kernel(
        _sc_body,
        out_type=jax.ShapeDtypeStruct((B * WPR,), jnp.int32),
        mesh=mesh,
        scratch_types=[
            pltpu.VMEM((ROWS_PER_W, LPAD), jnp.int32),
            pltpu.VMEM((NBUF * SLAB_WORDS,), jnp.int32),
            pltpu.SemaphoreType.DMA,
        ],
        compiler_params=pltpu.CompilerParams(needs_layout_passes=False),
    )
    bitmap_t = sc(idx2).reshape(B, WPR).T

    out_t8 = pl.pallas_call(
        _tc_body,
        out_shape=jax.ShapeDtypeStruct((NUM_CLASSES, B), jnp.uint8),
        grid=(NGROUP,),
        in_specs=[pl.BlockSpec((128, B), lambda g: (g, 0))],
        out_specs=pl.BlockSpec((4096, B), lambda g: (g, 0)),
    )(bitmap_t)
    return (out_t8 != 0).T

# --- scband reference (transcript-rebuilt; emitter-appended) ---
"""Pipeline reference for scband-indices-to-multihot-29953101922635 (READ-ONLY COPY).

The authoritative reference and input builder live on the scoring server;
editing this copy changes nothing except your own understanding.
"""

import jax, jax.numpy as jnp
import numpy as np

NUM_CLASSES = 100000


def setup_inputs(seed: int = 0) -> dict:
    key = jax.random.key(seed)
    indices = jax.random.randint(key, (1024, 200), 0, NUM_CLASSES, dtype=jnp.int64)
    return {"indices": indices}


def reference(indices) -> jnp.ndarray:
    # Faithful translation of torchoutil indices_to_multihot with padding_idx=None,
    # dtype=bool: for each row b, set multihot[b, indices[b, j]] = True for all j.
    B, L = indices.shape
    rows = jnp.broadcast_to(jnp.arange(B, dtype=indices.dtype)[:, None], (B, L))
    multihot = jnp.zeros((B, NUM_CLASSES), dtype=jnp.bool_)
    multihot = multihot.at[rows, indices].set(True)
    return multihot

if __name__ == "__main__":
    import jax
    _d = setup_inputs()
    print(jax.jit(kernel)(*tuple(_d.values())))

</pallas_src>

<mosaic_0001>
#map = affine_map<(d0, d1) -> (0, 0)>
#map1 = affine_map<(d0, d1) -> (0)>
module attributes {stable_mosaic.version = 14 : i64} {
  func.func @_sc_body(%arg0: i32, %arg1: i32, %arg2: memref<1024x208xi32, #tpu.memory_space<hbm>>, %arg3: memref<3276800xi32, #tpu.memory_space<hbm>>, %arg4: memref<32x208xi32, #tpu.memory_space<vmem>>, %arg5: memref<51200xi32, #tpu.memory_space<vmem>>, %arg6: memref<!tpu.dma_semaphore, #tpu.memory_space<semaphore_mem>>) attributes {dimension_semantics = [#tpu.dimension_semantics<core_parallel>, #tpu.dimension_semantics<subcore_parallel>], iteration_bounds = array<i64: 2, 16>, scalar_prefetch = 0 : i64, scratch_operands = 3 : i64, tpu.core_type = #tpu.core_type<sc_vector_subcore>, window_params = [{transform_indices = #map}, {transform_indices = #map1}]} {
    %mul3A = arith.constant 2 : i32
    %mul3A_0 = arith.muli %arg1, %mul3A : i32
    %add3A = arith.addi %mul3A_0, %arg0 : i32
    %mul3A_1 = arith.constant 32 : i32
    %mul3A_2 = arith.muli %add3A, %mul3A_1 : i32
    "tpu.region"() ({
      %run_scoped3A = tpu.sem_alloc : memref<!tpu.dma_semaphore, #tpu.memory_space<semaphore_mem>>
      %dma_start3A = arith.constant 0 : i32
      %dma_start3A_23 = tpu.memref_slice %arg2[%mul3A_2, %dma_start3A] : memref<1024x208xi32, #tpu.memory_space<hbm>> -> memref<32x208xi32, #tpu.memory_space<hbm>>
      %dma_start3A_24 = arith.constant 0 : i32
      %dma_start3A_25 = tpu.memref_slice %arg2[%mul3A_2, %dma_start3A_24] : memref<1024x208xi32, #tpu.memory_space<hbm>> -> memref<32x208xi32, #tpu.memory_space<hbm>>
      tpu.enqueue_dma source(%dma_start3A_25 : memref<32x208xi32, #tpu.memory_space<hbm>>) target(%arg4 : memref<32x208xi32, #tpu.memory_space<vmem>>) target_semaphore(%run_scoped3A : memref<!tpu.dma_semaphore, #tpu.memory_space<semaphore_mem>>)
      %dma_wait3A = arith.constant 0 : i32
      %dma_wait3A_26 = tpu.memref_slice %arg2[%mul3A_2, %dma_wait3A] : memref<1024x208xi32, #tpu.memory_space<hbm>> -> memref<32x208xi32, #tpu.memory_space<hbm>>
      %dma_wait3A_27 = arith.constant 0 : i32
      %dma_wait3A_28 = tpu.memref_slice %arg2[%mul3A_2, %dma_wait3A_27] : memref<1024x208xi32, #tpu.memory_space<hbm>> -> memref<32x208xi32, #tpu.memory_space<hbm>>
      tpu.wait_dma2 semaphore(%run_scoped3A : memref<!tpu.dma_semaphore, #tpu.memory_space<semaphore_mem>>) src(%dma_wait3A_28 : memref<32x208xi32, #tpu.memory_space<hbm>>) dst(%arg4 : memref<32x208xi32, #tpu.memory_space<vmem>>)
      tpu.yield
    }) : () -> ()
    %broadcast_in_dim3A = arith.constant 0 : i32
    %broadcast_in_dim3A_3 = vector.broadcast %broadcast_in_dim3A : i32 to vector<16xi32>
    %broadcast_in_dim3A_4 = arith.constant true
    %broadcast_in_dim3A_5 = vector.broadcast %broadcast_in_dim3A_4 : i1 to vector<16xi1>
    %scan3A = arith.constant 0 : i32
    %scan3A_6 = arith.constant 0 : i32
    %scan3A_7 = arith.constant 3200 : i32
    %scan3A_8 = arith.addi %scan3A_6, %scan3A_7 : i32
    %scan3A_9 = arith.constant 1 : i32
    scf.for %scan3A_23 = %scan3A_6 to %scan3A_8 step %scan3A_9  : i32 {
      %mul3A_24 = arith.constant 16 : i32
      %mul3A_25 = arith.muli %scan3A_23, %mul3A_24 : i32
      %swap3A = arith.index_cast %mul3A_25 : i32 to index
      %swap3A_26 = tpu.vector_load %arg5[%swap3A] {strides = array<i32>} : memref<51200xi32, #tpu.memory_space<vmem>>, vector<16xi32>,
      tpu.vector_store %arg5[%swap3A], %broadcast_in_dim3A_3 {strides = array<i32>} : memref<51200xi32, #tpu.memory_space<vmem>>, vector<16xi32>,
    }
    %scan3A_10 = arith.constant 3200 : i32
    %scan3A_11 = arith.constant 0 : i32
    %scan3A_12 = arith.constant 0 : i32
    %scan3A_13 = arith.constant 4 : i32
    %scan3A_14 = arith.addi %scan3A_12, %scan3A_13 : i32
    %scan3A_15 = arith.constant 1 : i32
    scf.for %scan3A_23 = %scan3A_12 to %scan3A_14 step %scan3A_15  : i32 {
      %rem3A = arith.constant 2 : i32
      %rem3A_24 = arith.remsi %scan3A_23, %rem3A : i32
      %mul3A_25 = arith.constant 25600 : i32
      %mul3A_26 = arith.muli %rem3A_24, %mul3A_25 : i32
      %ge3A = arith.constant 2 : i32
      %ge3A_27 = arith.cmpi sge, %scan3A_23, %ge3A : i32
      %convert_element_type3A = arith.extui %ge3A_27 : i1 to i32
      %cond3A = arith.constant 0 : i32
      %cond3A_28 = arith.cmpi ne, %convert_element_type3A, %cond3A : i32
      scf.if %cond3A_28 {
        %mul3A_43 = arith.constant 3200 : i32
        %mul3A_44 = arith.muli %mul3A_2, %mul3A_43 : i32
        %mul3A_45 = arith.constant 25600 : i32
        %mul3A_46 = arith.muli %scan3A_23, %mul3A_45 : i32
        %add3A_47 = arith.addi %mul3A_44, %mul3A_46 : i32
        %dma_wait3A = tpu.memref_slice %arg5[%mul3A_26] : memref<51200xi32, #tpu.memory_space<vmem>> -> memref<25600xi32, #tpu.memory_space<vmem>>
        %dma_wait3A_48 = tpu.memref_slice %arg3[%add3A_47] : memref<3276800xi32, #tpu.memory_space<hbm>> -> memref<25600xi32, #tpu.memory_space<hbm>>
        %dma_wait3A_49 = tpu.memref_slice %arg3[%add3A_47] : memref<3276800xi32, #tpu.memory_space<hbm>> -> memref<25600xi32, #tpu.memory_space<hbm>>
        %dma_wait3A_50 = tpu.memref_slice %arg5[%mul3A_26] : memref<51200xi32, #tpu.memory_space<vmem>> -> memref<25600xi32, #tpu.memory_space<vmem>>
        tpu.wait_dma2 semaphore(%arg6 : memref<!tpu.dma_semaphore, #tpu.memory_space<semaphore_mem>>) src(%dma_wait3A_50 : memref<25600xi32, #tpu.memory_space<vmem>>) dst(%dma_wait3A_49 : memref<25600xi32, #tpu.memory_space<hbm>>)
        %scan3A_51 = arith.constant 0 : i32
        %scan3A_52 = arith.constant 0 : i32
        %scan3A_53 = arith.constant 8 : i32
        %scan3A_54 = arith.addi %scan3A_52, %scan3A_53 : i32
        %scan3A_55 = arith.constant 1 : i32
        scf.for %scan3A_57 = %scan3A_52 to %scan3A_54 step %scan3A_55  : i32 {
          %sub3A = arith.constant 2 : i32
          %sub3A_58 = arith.subi %scan3A_23, %sub3A : i32
          %mul3A_59 = arith.constant 8 : i32
          %mul3A_60 = arith.muli %sub3A_58, %mul3A_59 : i32
          %add3A_61 = arith.addi %mul3A_60, %scan3A_57 : i32
          %get3A = arith.index_cast %add3A_61 : i32 to index
          %get3A_62 = arith.constant 0 : index
          %get3A_63 = tpu.vector_load %arg4[%get3A, %get3A_62] {strides = array<i32>} : memref<32x208xi32, #tpu.memory_space<vmem>>, vector<16xi32>,
          %mul3A_64 = arith.constant 3200 : i32
          %mul3A_65 = arith.muli %scan3A_57, %mul3A_64 : i32
          %add3A_66 = arith.addi %mul3A_26, %mul3A_65 : i32
          %shift_right_arithmetic3A = arith.constant 12 : i32
          %shift_right_arithmetic3A_67 = vector.broadcast %shift_right_arithmetic3A : i32 to vector<16xi32>
          %shift_right_arithmetic3A_68 = arith.shrsi %get3A_63, %shift_right_arithmetic3A_67 : vector<16xi32>
          %shift_left3A = arith.constant 7 : i32
          %shift_left3A_69 = vector.broadcast %shift_left3A : i32 to vector<16xi32>
          %shift_left3A_70 = arith.shli %shift_right_arithmetic3A_68, %shift_left3A_69 : vector<16xi32>
          %add3A_71 = vector.broadcast %add3A_66 : i32 to vector<16xi32>
          %add3A_72 = arith.addi %add3A_71, %shift_left3A_70 : vector<16xi32>
          %shift_right_arithmetic3A_73 = arith.constant 2 : i32
          %shift_right_arithmetic3A_74 = vector.broadcast %shift_right_arithmetic3A_73 : i32 to vector<16xi32>
          %shift_right_arithmetic3A_75 = arith.shrsi %get3A_63, %shift_right_arithmetic3A_74 : vector<16xi32>
          %and3A = arith.constant 127 : i32
          %and3A_76 = vector.broadcast %and3A : i32 to vector<16xi32>
          %and3A_77 = arith.andi %shift_right_arithmetic3A_75, %and3A_76 : vector<16xi32>
          %add3A_78 = arith.addi %add3A_72, %and3A_77 : vector<16xi32>
          %and3A_79 = arith.constant 3 : i32
          %and3A_80 = vector.broadcast %and3A_79 : i32 to vector<16xi32>
          %and3A_81 = arith.andi %get3A_63, %and3A_80 : vector<16xi32>
          %shift_left3A_82 = arith.constant 3 : i32
          %shift_left3A_83 = vector.broadcast %shift_left3A_82 : i32 to vector<16xi32>
          %shift_left3A_84 = arith.shli %and3A_81, %shift_left3A_83 : vector<16xi32>
          %shift_right_arithmetic3A_85 = arith.constant 9 : i32
          %shift_right_arithmetic3A_86 = vector.broadcast %shift_right_arithmetic3A_85 : i32 to vector<16xi32>
          %shift_right_arithmetic3A_87 = arith.shrsi %get3A_63, %shift_right_arithmetic3A_86 : vector<16xi32>
          %and3A_88 = arith.constant 7 : i32
          %and3A_89 = vector.broadcast %and3A_88 : i32 to vector<16xi32>
          %and3A_90 = arith.andi %shift_right_arithmetic3A_87, %and3A_89 : vector<16xi32>
          %add3A_91 = arith.addi %shift_left3A_84, %and3A_90 : vector<16xi32>
          %shift_left3A_92 = arith.constant 1 : i32
          %shift_left3A_93 = vector.broadcast %shift_left3A_92 : i32 to vector<16xi32>
          %shift_left3A_94 = arith.shli %shift_left3A_93, %add3A_91 : vector<16xi32>
          tpu.vector_store_idx %arg5[%add3A_78], %broadcast_in_dim3A_3 : memref<51200xi32, #tpu.memory_space<vmem>>[vector<16xi32>], vector<16xi32>,
          %get3A_95 = arith.index_cast %add3A_61 : i32 to index
          %get3A_96 = arith.constant 16 : index
          %get3A_97 = tpu.vector_load %arg4[%get3A_95, %get3A_96] {strides = array<i32>} : memref<32x208xi32, #tpu.memory_space<vmem>>, vector<16xi32>,
          %mul3A_98 = arith.constant 3200 : i32
          %mul3A_99 = arith.muli %scan3A_57, %mul3A_98 : i32
          %add3A_100 = arith.addi %mul3A_26, %mul3A_99 : i32
          %shift_right_arithmetic3A_101 = arith.constant 12 : i32
          %shift_right_arithmetic3A_102 = vector.broadcast %shift_right_arithmetic3A_101 : i32 to vector<16xi32>
          %shift_right_arithmetic3A_103 = arith.shrsi %get3A_97, %shift_right_arithmetic3A_102 : vector<16xi32>
          %shift_left3A_104 = arith.constant 7 : i32
          %shift_left3A_105 = vector.broadcast %shift_left3A_104 : i32 to vector<16xi32>
          %shift_left3A_106 = arith.shli %shift_right_arithmetic3A_103, %shift_left3A_105 : vector<16xi32>
          %add3A_107 = vector.broadcast %add3A_100 : i32 to vector<16xi32>
          %add3A_108 = arith.addi %add3A_107, %shift_left3A_106 : vector<16xi32>
          %shift_right_arithmetic3A_109 = arith.constant 2 : i32
          %shift_right_arithmetic3A_110 = vector.broadcast %shift_right_arithmetic3A_109 : i32 to vector<16xi32>
          %shift_right_arithmetic3A_111 = arith.shrsi %get3A_97, %shift_right_arithmetic3A_110 : vector<16xi32>
          %and3A_112 = arith.constant 127 : i32
          %and3A_113 = vector.broadcast %and3A_112 : i32 to vector<16xi32>
          %and3A_114 = arith.andi %shift_right_arithmetic3A_111, %and3A_113 : vector<16xi32>
          %add3A_115 = arith.addi %add3A_108, %and3A_114 : vector<16xi32>
          %and3A_116 = arith.constant 3 : i32
          %and3A_117 = vector.broadcast %and3A_116 : i32 to vector<16xi32>
          %and3A_118 = arith.andi %get3A_97, %and3A_117 : vector<16xi32>
          %shift_left3A_119 = arith.constant 3 : i32
          %shift_left3A_120 = vector.broadcast %shift_left3A_119 : i32 to vector<16xi32>
          %shift_left3A_121 = arith.shli %and3A_118, %shift_left3A_120 : vector<16xi32>
          %shift_right_arithmetic3A_122 = arith.constant 9 : i32
          %shift_right_arithmetic3A_123 = vector.broadcast %shift_right_arithmetic3A_122 : i32 to vector<16xi32>
          %shift_right_arithmetic3A_124 = arith.shrsi %get3A_97, %shift_right_arithmetic3A_123 : vector<16xi32>
          %and3A_125 = arith.constant 7 : i32
          %and3A_126 = vector.broadcast %and3A_125 : i32 to vector<16xi32>
          %and3A_127 = arith.andi %shift_right_arithmetic3A_124, %and3A_126 : vector<16xi32>
          %add3A_128 = arith.addi %shift_left3A_121, %and3A_127 : vector<16xi32>
          %shift_left3A_129 = arith.constant 1 : i32
          %shift_left3A_130 = vector.broadcast %shift_left3A_129 : i32 to vector<16xi32>
          %shift_left3A_131 = arith.shli %shift_left3A_130, %add3A_128 : vector<16xi32>
          tpu.vector_store_idx %arg5[%add3A_115], %broadcast_in_dim3A_3 : memref<51200xi32, #tpu.memory_space<vmem>>[vector<16xi32>], vector<16xi32>,
          %get3A_132 = arith.index_cast %add3A_61 : i32 to index
          %get3A_133 = arith.constant 32 : index
          %get3A_134 = tpu.vector_load %arg4[%get3A_132, %get3A_133] {strides = array<i32>} : memref<32x208xi32, #tpu.memory_space<vmem>>, vector<16xi32>,
          %mul3A_135 = arith.constant 3200 : i32
          %mul3A_136 = arith.muli %scan3A_57, %mul3A_135 : i32
          %add3A_137 = arith.addi %mul3A_26, %mul3A_136 : i32
          %shift_right_arithmetic3A_138 = arith.constant 12 : i32
          %shift_right_arithmetic3A_139 = vector.broadcast %shift_right_arithmetic3A_138 : i32 to vector<16xi32>
          %shift_right_arithmetic3A_140 = arith.shrsi %get3A_134, %shift_right_arithmetic3A_139 : vector<16xi32>
          %shift_left3A_141 = arith.constant 7 : i32
          %shift_left3A_142 = vector.broadcast %shift_left3A_141 : i32 to vector<16xi32>
          %shift_left3A_143 = arith.shli %shift_right_arithmetic3A_140, %shift_left3A_142 : vector<16xi32>
          %add3A_144 = vector.broadcast %add3A_137 : i32 to vector<16xi32>
          %add3A_145 = arith.addi %add3A_144, %shift_left3A_143 : vector<16xi32>
          %shift_right_arithmetic3A_146 = arith.constant 2 : i32
          %shift_right_arithmetic3A_147 = vector.broadcast %shift_right_arithmetic3A_146 : i32 to vector<16xi32>
          %shift_right_arithmetic3A_148 = arith.shrsi %get3A_134, %shift_right_arithmetic3A_147 : vector<16xi32>
          %and3A_149 = arith.constant 127 : i32
          %and3A_150 = vector.broadcast %and3A_149 : i32 to vector<16xi32>
          %and3A_151 = arith.andi %shift_right_arithmetic3A_148, %and3A_150 : vector<16xi32>
          %add3A_152 = arith.addi %add3A_145, %and3A_151 : vector<16xi32>
          %and3A_153 = arith.constant 3 : i32
          %and3A_154 = vector.broadcast %and3A_153 : i32 to vector<16xi32>
          %and3A_155 = arith.andi %get3A_134, %and3A_154 : vector<16xi32>
          %shift_left3A_156 = arith.constant 3 : i32
          %shift_left3A_157 = vector.broadcast %shift_left3A_156 : i32 to vector<16xi32>
          %shift_left3A_158 = arith.shli %and3A_155, %shift_left3A_157 : vector<16xi32>
          %shift_right_arithmetic3A_159 = arith.constant 9 : i32
          %shift_right_arithmetic3A_160 = vector.broadcast %shift_right_arithmetic3A_159 : i32 to vector<16xi32>
          %shift_right_arithmetic3A_161 = arith.shrsi %get3A_134, %shift_right_arithmetic3A_160 : vector<16xi32>
          %and3A_162 = arith.constant 7 : i32
          %and3A_163 = vector.broadcast %and3A_162 : i32 to vector<16xi32>
          %and3A_164 = arith.andi %shift_right_arithmetic3A_161, %and3A_163 : vector<16xi32>
          %add3A_165 = arith.addi %shift_left3A_158, %and3A_164 : vector<16xi32>
          %shift_left3A_166 = arith.constant 1 : i32
          %shift_left3A_167 = vector.broadcast %shift_left3A_166 : i32 to vector<16xi32>
          %shift_left3A_168 = arith.shli %shift_left3A_167, %add3A_165 : vector<16xi32>
          tpu.vector_store_idx %arg5[%add3A_152], %broadcast_in_dim3A_3 : memref<51200xi32, #tpu.memory_space<vmem>>[vector<16xi32>], vector<16xi32>,
          %get3A_169 = arith.index_cast %add3A_61 : i32 to index
          %get3A_170 = arith.constant 48 : index
          %get3A_171 = tpu.vector_load %arg4[%get3A_169, %get3A_170] {strides = array<i32>} : memref<32x208xi32, #tpu.memory_space<vmem>>, vector<16xi32>,
          %mul3A_172 = arith.constant 3200 : i32
          %mul3A_173 = arith.muli %scan3A_57, %mul3A_172 : i32
          %add3A_174 = arith.addi %mul3A_26, %mul3A_173 : i32
          %shift_right_arithmetic3A_175 = arith.constant 12 : i32
          %shift_right_arithmetic3A_176 = vector.broadcast %shift_right_arithmetic3A_175 : i32 to vector<16xi32>
          %shift_right_arithmetic3A_177 = arith.shrsi %get3A_171, %shift_right_arithmetic3A_176 : vector<16xi32>
          %shift_left3A_178 = arith.constant 7 : i32
          %shift_left3A_179 = vector.broadcast %shift_left3A_178 : i32 to vector<16xi32>
          %shift_left3A_180 = arith.shli %shift_right_arithmetic3A_177, %shift_left3A_179 : vector<16xi32>
          %add3A_181 = vector.broadcast %add3A_174 : i32 to vector<16xi32>
          %add3A_182 = arith.addi %add3A_181, %shift_left3A_180 : vector<16xi32>
          %shift_right_arithmetic3A_183 = arith.constant 2 : i32
          %shift_right_arithmetic3A_184 = vector.broadcast %shift_right_arithmetic3A_183 : i32 to vector<16xi32>
          %shift_right_arithmetic3A_185 = arith.shrsi %get3A_171, %shift_right_arithmetic3A_184 : vector<16xi32>
          %and3A_186 = arith.constant 127 : i32
          %and3A_187 = vector.broadcast %and3A_186 : i32 to vector<16xi32>
          %and3A_188 = arith.andi %shift_right_arithmetic3A_185, %and3A_187 : vector<16xi32>
          %add3A_189 = arith.addi %add3A_182, %and3A_188 : vector<16xi32>
          %and3A_190 = arith.constant 3 : i32
          %and3A_191 = vector.broadcast %and3A_190 : i32 to vector<16xi32>
          %and3A_192 = arith.andi %get3A_171, %and3A_191 : vector<16xi32>
          %shift_left3A_193 = arith.constant 3 : i32
          %shift_left3A_194 = vector.broadcast %shift_left3A_193 : i32 to vector<16xi32>
          %shift_left3A_195 = arith.shli %and3A_192, %shift_left3A_194 : vector<16xi32>
          %shift_right_arithmetic3A_196 = arith.constant 9 : i32
          %shift_right_arithmetic3A_197 = vector.broadcast %shift_right_arithmetic3A_196 : i32 to vector<16xi32>
          %shift_right_arithmetic3A_198 = arith.shrsi %get3A_171, %shift_right_arithmetic3A_197 : vector<16xi32>
          %and3A_199 = arith.constant 7 : i32
          %and3A_200 = vector.broadcast %and3A_199 : i32 to vector<16xi32>
          %and3A_201 = arith.andi %shift_right_arithmetic3A_198, %and3A_200 : vector<16xi32>
          %add3A_202 = arith.addi %shift_left3A_195, %and3A_201 : vector<16xi32>
          %shift_left3A_203 = arith.constant 1 : i32
          %shift_left3A_204 = vector.broadcast %shift_left3A_203 : i32 to vector<16xi32>
          %shift_left3A_205 = arith.shli %shift_left3A_204, %add3A_202 : vector<16xi32>
          tpu.vector_store_idx %arg5[%add3A_189], %broadcast_in_dim3A_3 : memref<51200xi32, #tpu.memory_space<vmem>>[vector<16xi32>], vector<16xi32>,
          %get3A_206 = arith.index_cast %add3A_61 : i32 to index
          %get3A_207 = arith.constant 64 : index
          %get3A_208 = tpu.vector_load %arg4[%get3A_206, %get3A_207] {strides = array<i32>} : memref<32x208xi32, #tpu.memory_space<vmem>>, vector<16xi32>,
          %mul3A_209 = arith.constant 3200 : i32
          %mul3A_210 = arith.muli %scan3A_57, %mul3A_209 : i32
          %add3A_211 = arith.addi %mul3A_26, %mul3A_210 : i32
          %shift_right_arithmetic3A_212 = arith.constant 12 : i32
          %shift_right_arithmetic3A_213 = vector.broadcast %shift_right_arithmetic3A_212 : i32 to vector<16xi32>
          %shift_right_arithmetic3A_214 = arith.shrsi %get3A_208, %shift_right_arithmetic3A_213 : vector<16xi32>
          %shift_left3A_215 = arith.constant 7 : i32
          %shift_left3A_216 = vector.broadcast %shift_left3A_215 : i32 to vector<16xi32>
          %shift_left3A_217 = arith.shli %shift_right_arithmetic3A_214, %shift_left3A_216 : vector<16xi32>
          %add3A_218 = vector.broadcast %add3A_211 : i32 to vector<16xi32>
          %add3A_219 = arith.addi %add3A_218, %shift_left3A_217 : vector<16xi32>
          %shift_right_arithmetic3A_220 = arith.constant 2 : i32
          %shift_right_arithmetic3A_221 = vector.broadcast %shift_right_arithmetic3A_220 : i32 to vector<16xi32>
          %shift_right_arithmetic3A_222 = arith.shrsi %get3A_208, %shift_right_arithmetic3A_221 : vector<16xi32>
          %and3A_223 = arith.constant 127 : i32
          %and3A_224 = vector.broadcast %and3A_223 : i32 to vector<16xi32>
          %and3A_225 = arith.andi %shift_right_arithmetic3A_222, %and3A_224 : vector<16xi32>
          %add3A_226 = arith.addi %add3A_219, %and3A_225 : vector<16xi32>
          %and3A_227 = arith.constant 3 : i32
          %and3A_228 = vector.broadcast %and3A_227 : i32 to vector<16xi32>
          %and3A_229 = arith.andi %get3A_208, %and3A_228 : vector<16xi32>
          %shift_left3A_230 = arith.constant 3 : i32
          %shift_left3A_231 = vector.broadcast %shift_left3A_230 : i32 to vector<16xi32>
          %shift_left3A_232 = arith.shli %and3A_229, %shift_left3A_231 : vector<16xi32>
          %shift_right_arithmetic3A_233 = arith.constant 9 : i32
          %shift_right_arithmetic3A_234 = vector.broadcast %shift_right_arithmetic3A_233 : i32 to vector<16xi32>
          %shift_right_arithmetic3A_235 = arith.shrsi %get3A_208, %shift_right_arithmetic3A_234 : vector<16xi32>
          %and3A_236 = arith.constant 7 : i32
          %and3A_237 = vector.broadcast %and3A_236 : i32 to vector<16xi32>
          %and3A_238 = arith.andi %shift_right_arithmetic3A_235, %and3A_237 : vector<16xi32>
          %add3A_239 = arith.addi %shift_left3A_232, %and3A_238 : vector<16xi32>
          %shift_left3A_240 = arith.constant 1 : i32
          %shift_left3A_241 = vector.broadcast %shift_left3A_240 : i32 to vector<16xi32>
          %shift_left3A_242 = arith.shli %shift_left3A_241, %add3A_239 : vector<16xi32>
          tpu.vector_store_idx %arg5[%add3A_226], %broadcast_in_dim3A_3 : memref<51200xi32, #tpu.memory_space<vmem>>[vector<16xi32>], vector<16xi32>,
          %get3A_243 = arith.index_cast %add3A_61 : i32 to index
          %get3A_244 = arith.constant 80 : index
          %get3A_245 = tpu.vector_load %arg4[%get3A_243, %get3A_244] {strides = array<i32>} : memref<32x208xi32, #tpu.memory_space<vmem>>, vector<16xi32>,
          %mul3A_246 = arith.constant 3200 : i32
          %mul3A_247 = arith.muli %scan3A_57, %mul3A_246 : i32
          %add3A_248 = arith.addi %mul3A_26, %mul3A_247 : i32
          %shift_right_arithmetic3A_249 = arith.constant 12 : i32
          %shift_right_arithmetic3A_250 = vector.broadcast %shift_right_arithmetic3A_249 : i32 to vector<16xi32>
          %shift_right_arithmetic3A_251 = arith.shrsi %get3A_245, %shift_right_arithmetic3A_250 : vector<16xi32>
          %shift_left3A_252 = arith.constant 7 : i32
          %shift_left3A_253 = vector.broadcast %shift_left3A_252 : i32 to vector<16xi32>
          %shift_left3A_254 = arith.shli %shift_right_arithmetic3A_251, %shift_left3A_253 : vector<16xi32>
          %add3A_255 = vector.broadcast %add3A_248 : i32 to vector<16xi32>
          %add3A_256 = arith.addi %add3A_255, %shift_left3A_254 : vector<16xi32>
          %shift_right_arithmetic3A_257 = arith.constant 2 : i32
          %shift_right_arithmetic3A_258 = vector.broadcast %shift_right_arithmetic3A_257 : i32 to vector<16xi32>
          %shift_right_arithmetic3A_259 = arith.shrsi %get3A_245, %shift_right_arithmetic3A_258 : vector<16xi32>
          %and3A_260 = arith.constant 127 : i32
          %and3A_261 = vector.broadcast %and3A_260 : i32 to vector<16xi32>
          %and3A_262 = arith.andi %shift_right_arithmetic3A_259, %and3A_261 : vector<16xi32>
          %add3A_263 = arith.addi %add3A_256, %and3A_262 : vector<16xi32>
          %and3A_264 = arith.constant 3 : i32
          %and3A_265 = vector.broadcast %and3A_264 : i32 to vector<16xi32>
          %and3A_266 = arith.andi %get3A_245, %and3A_265 : vector<16xi32>
          %shift_left3A_267 = arith.constant 3 : i32
          %shift_left3A_268 = vector.broadcast %shift_left3A_267 : i32 to vector<16xi32>
          %shift_left3A_269 = arith.shli %and3A_266, %shift_left3A_268 : vector<16xi32>
          %shift_right_arithmetic3A_270 = arith.constant 9 : i32
          %shift_right_arithmetic3A_271 = vector.broadcast %shift_right_arithmetic3A_270 : i32 to vector<16xi32>
          %shift_right_arithmetic3A_272 = arith.shrsi %get3A_245, %shift_right_arithmetic3A_271 : vector<16xi32>
          %and3A_273 = arith.constant 7 : i32
          %and3A_274 = vector.broadcast %and3A_273 : i32 to vector<16xi32>
          %and3A_275 = arith.andi %shift_right_arithmetic3A_272, %and3A_274 : vector<16xi32>
          %add3A_276 = arith.addi %shift_left3A_269, %and3A_275 : vector<16xi32>
          %shift_left3A_277 = arith.constant 1 : i32
          %shift_left3A_278 = vector.broadcast %shift_left3A_277 : i32 to vector<16xi32>
          %shift_left3A_279 = arith.shli %shift_left3A_278, %add3A_276 : vector<16xi32>
          tpu.vector_store_idx %arg5[%add3A_263], %broadcast_in_dim3A_3 : memref<51200xi32, #tpu.memory_space<vmem>>[vector<16xi32>], vector<16xi32>,
          %get3A_280 = arith.index_cast %add3A_61 : i32 to index
          %get3A_281 = arith.constant 96 : index
          %get3A_282 = tpu.vector_load %arg4[%get3A_280, %get3A_281] {strides = array<i32>} : memref<32x208xi32, #tpu.memory_space<vmem>>, vector<16xi32>,
          %mul3A_283 = arith.constant 3200 : i32
          %mul3A_284 = arith.muli %scan3A_57, %mul3A_283 : i32
          %add3A_285 = arith.addi %mul3A_26, %mul3A_284 : i32
          %shift_right_arithmetic3A_286 = arith.constant 12 : i32
          %shift_right_arithmetic3A_287 = vector.broadcast %shift_right_arithmetic3A_286 : i32 to vector<16xi32>
          %shift_right_arithmetic3A_288 = arith.shrsi %get3A_282, %shift_right_arithmetic3A_287 : vector<16xi32>
          %shift_left3A_289 = arith.constant 7 : i32
          %shift_left3A_290 = vector.broadcast %shift_left3A_289 : i32 to vector<16xi32>
          %shift_left3A_291 = arith.shli %shift_right_arithmetic3A_288, %shift_left3A_290 : vector<16xi32>
          %add3A_292 = vector.broadcast %add3A_285 : i32 to vector<16xi32>
          %add3A_293 = arith.addi %add3A_292, %shift_left3A_291 : vector<16xi32>
          %shift_right_arithmetic3A_294 = arith.constant 2 : i32
          %shift_right_arithmetic3A_295 = vector.broadcast %shift_right_arithmetic3A_294 : i32 to vector<16xi32>
          %shift_right_arithmetic3A_296 = arith.shrsi %get3A_282, %shift_right_arithmetic3A_295 : vector<16xi32>
          %and3A_297 = arith.constant 127 : i32
          %and3A_298 = vector.broadcast %and3A_297 : i32 to vector<16xi32>
          %and3A_299 = arith.andi %shift_right_arithmetic3A_296, %and3A_298 : vector<16xi32>
          %add3A_300 = arith.addi %add3A_293, %and3A_299 : vector<16xi32>
          %and3A_301 = arith.constant 3 : i32
          %and3A_302 = vector.broadcast %and3A_301 : i32 to vector<16xi32>
          %and3A_303 = arith.andi %get3A_282, %and3A_302 : vector<16xi32>
          %shift_left3A_304 = arith.constant 3 : i32
          %shift_left3A_305 = vector.broadcast %shift_left3A_304 : i32 to vector<16xi32>
          %shift_left3A_306 = arith.shli %and3A_303, %shift_left3A_305 : vector<16xi32>
          %shift_right_arithmetic3A_307 = arith.constant 9 : i32
          %shift_right_arithmetic3A_308 = vector.broadcast %shift_right_arithmetic3A_307 : i32 to vector<16xi32>
          %shift_right_arithmetic3A_309 = arith.shrsi %get3A_282, %shift_right_arithmetic3A_308 : vector<16xi32>
          %and3A_310 = arith.constant 7 : i32
          %and3A_311 = vector.broadcast %and3A_310 : i32 to vector<16xi32>
          %and3A_312 = arith.andi %shift_right_arithmetic3A_309, %and3A_311 : vector<16xi32>
          %add3A_313 = arith.addi %shift_left3A_306, %and3A_312 : vector<16xi32>
          %shift_left3A_314 = arith.constant 1 : i32
          %shift_left3A_315 = vector.broadcast %shift_left3A_314 : i32 to vector<16xi32>
          %shift_left3A_316 = arith.shli %shift_left3A_315, %add3A_313 : vector<16xi32>
          tpu.vector_store_idx %arg5[%add3A_300], %broadcast_in_dim3A_3 : memref<51200xi32, #tpu.memory_space<vmem>>[vector<16xi32>], vector<16xi32>,
          %get3A_317 = arith.index_cast %add3A_61 : i32 to index
          %get3A_318 = arith.constant 112 : index
          %get3A_319 = tpu.vector_load %arg4[%get3A_317, %get3A_318] {strides = array<i32>} : memref<32x208xi32, #tpu.memory_space<vmem>>, vector<16xi32>,
          %mul3A_320 = arith.constant 3200 : i32
          %mul3A_321 = arith.muli %scan3A_57, %mul3A_320 : i32
          %add3A_322 = arith.addi %mul3A_26, %mul3A_321 : i32
          %shift_right_arithmetic3A_323 = arith.constant 12 : i32
          %shift_right_arithmetic3A_324 = vector.broadcast %shift_right_arithmetic3A_323 : i32 to vector<16xi32>
          %shift_right_arithmetic3A_325 = arith.shrsi %get3A_319, %shift_right_arithmetic3A_324 : vector<16xi32>
          %shift_left3A_326 = arith.constant 7 : i32
          %shift_left3A_327 = vector.broadcast %shift_left3A_326 : i32 to vector<16xi32>
          %shift_left3A_328 = arith.shli %shift_right_arithmetic3A_325, %shift_left3A_327 : vector<16xi32>
          %add3A_329 = vector.broadcast %add3A_322 : i32 to vector<16xi32>
          %add3A_330 = arith.addi %add3A_329, %shift_left3A_328 : vector<16xi32>
          %shift_right_arithmetic3A_331 = arith.constant 2 : i32
          %shift_right_arithmetic3A_332 = vector.broadcast %shift_right_arithmetic3A_331 : i32 to vector<16xi32>
          %shift_right_arithmetic3A_333 = arith.shrsi %get3A_319, %shift_right_arithmetic3A_332 : vector<16xi32>
          %and3A_334 = arith.constant 127 : i32
          %and3A_335 = vector.broadcast %and3A_334 : i32 to vector<16xi32>
          %and3A_336 = arith.andi %shift_right_arithmetic3A_333, %and3A_335 : vector<16xi32>
          %add3A_337 = arith.addi %add3A_330, %and3A_336 : vector<16xi32>
          %and3A_338 = arith.constant 3 : i32
          %and3A_339 = vector.broadcast %and3A_338 : i32 to vector<16xi32>
          %and3A_340 = arith.andi %get3A_319, %and3A_339 : vector<16xi32>
          %shift_left3A_341 = arith.constant 3 : i32
          %shift_left3A_342 = vector.broadcast %shift_left3A_341 : i32 to vector<16xi32>
          %shift_left3A_343 = arith.shli %and3A_340, %shift_left3A_342 : vector<16xi32>
          %shift_right_arithmetic3A_344 = arith.constant 9 : i32
          %shift_right_arithmetic3A_345 = vector.broadcast %shift_right_arithmetic3A_344 : i32 to vector<16xi32>
          %shift_right_arithmetic3A_346 = arith.shrsi %get3A_319, %shift_right_arithmetic3A_345 : vector<16xi32>
          %and3A_347 = arith.constant 7 : i32
          %and3A_348 = vector.broadcast %and3A_347 : i32 to vector<16xi32>
          %and3A_349 = arith.andi %shift_right_arithmetic3A_346, %and3A_348 : vector<16xi32>
          %add3A_350 = arith.addi %shift_left3A_343, %and3A_349 : vector<16xi32>
          %shift_left3A_351 = arith.constant 1 : i32
          %shift_left3A_352 = vector.broadcast %shift_left3A_351 : i32 to vector<16xi32>
          %shift_left3A_353 = arith.shli %shift_left3A_352, %add3A_350 : vector<16xi32>
          tpu.vector_store_idx %arg5[%add3A_337], %broadcast_in_dim3A_3 : memref<51200xi32, #tpu.memory_space<vmem>>[vector<16xi32>], vector<16xi32>,
          %get3A_354 = arith.index_cast %add3A_61 : i32 to index
          %get3A_355 = arith.constant 128 : index
          %get3A_356 = tpu.vector_load %arg4[%get3A_354, %get3A_355] {strides = array<i32>} : memref<32x208xi32, #tpu.memory_space<vmem>>, vector<16xi32>,
          %mul3A_357 = arith.constant 3200 : i32
          %mul3A_358 = arith.muli %scan3A_57, %mul3A_357 : i32
          %add3A_359 = arith.addi %mul3A_26, %mul3A_358 : i32
          %shift_right_arithmetic3A_360 = arith.constant 12 : i32
          %shift_right_arithmetic3A_361 = vector.broadcast %shift_right_arithmetic3A_360 : i32 to vector<16xi32>
          %shift_right_arithmetic3A_362 = arith.shrsi %get3A_356, %shift_right_arithmetic3A_361 : vector<16xi32>
          %shift_left3A_363 = arith.constant 7 : i32
          %shift_left3A_364 = vector.broadcast %shift_left3A_363 : i32 to vector<16xi32>
          %shift_left3A_365 = arith.shli %shift_right_arithmetic3A_362, %shift_left3A_364 : vector<16xi32>
          %add3A_366 = vector.broadcast %add3A_359 : i32 to vector<16xi32>
          %add3A_367 = arith.addi %add3A_366, %shift_left3A_365 : vector<16xi32>
          %shift_right_arithmetic3A_368 = arith.constant 2 : i32
          %shift_right_arithmetic3A_369 = vector.broadcast %shift_right_arithmetic3A_368 : i32 to vector<16xi32>
          %shift_right_arithmetic3A_370 = arith.shrsi %get3A_356, %shift_right_arithmetic3A_369 : vector<16xi32>
          %and3A_371 = arith.constant 127 : i32
          %and3A_372 = vector.broadcast %and3A_371 : i32 to vector<16xi32>
          %and3A_373 = arith.andi %shift_right_arithmetic3A_370, %and3A_372 : vector<16xi32>
          %add3A_374 = arith.addi %add3A_367, %and3A_373 : vector<16xi32>
          %and3A_375 = arith.constant 3 : i32
          %and3A_376 = vector.broadcast %and3A_375 : i32 to vector<16xi32>
          %and3A_377 = arith.andi %get3A_356, %and3A_376 : vector<16xi32>
          %shift_left3A_378 = arith.constant 3 : i32
          %shift_left3A_379 = vector.broadcast %shift_left3A_378 : i32 to vector<16xi32>
          %shift_left3A_380 = arith.shli %and3A_377, %shift_left3A_379 : vector<16xi32>
          %shift_right_arithmetic3A_381 = arith.constant 9 : i32
          %shift_right_arithmetic3A_382 = vector.broadcast %shift_right_arithmetic3A_381 : i32 to vector<16xi32>
          %shift_right_arithmetic3A_383 = arith.shrsi %get3A_356, %shift_right_arithmetic3A_382 : vector<16xi32>
          %and3A_384 = arith.constant 7 : i32
          %and3A_385 = vector.broadcast %and3A_384 : i32 to vector<16xi32>
          %and3A_386 = arith.andi %shift_right_arithmetic3A_383, %and3A_385 : vector<16xi32>
          %add3A_387 = arith.addi %shift_left3A_380, %and3A_386 : vector<16xi32>
          %shift_left3A_388 = arith.constant 1 : i32
          %shift_left3A_389 = vector.broadcast %shift_left3A_388 : i32 to vector<16xi32>
          %shift_left3A_390 = arith.shli %shift_left3A_389, %add3A_387 : vector<16xi32>
          tpu.vector_store_idx %arg5[%add3A_374], %broadcast_in_dim3A_3 : memref<51200xi32, #tpu.memory_space<vmem>>[vector<16xi32>], vector<16xi32>,
          %get3A_391 = arith.index_cast %add3A_61 : i32 to index
          %get3A_392 = arith.constant 144 : index
          %get3A_393 = tpu.vector_load %arg4[%get3A_391, %get3A_392] {strides = array<i32>} : memref<32x208xi32, #tpu.memory_space<vmem>>, vector<16xi32>,
          %mul3A_394 = arith.constant 3200 : i32
          %mul3A_395 = arith.muli %scan3A_57, %mul3A_394 : i32
          %add3A_396 = arith.addi %mul3A_26, %mul3A_395 : i32
          %shift_right_arithmetic3A_397 = arith.constant 12 : i32
          %shift_right_arithmetic3A_398 = vector.broadcast %shift_right_arithmetic3A_397 : i32 to vector<16xi32>
          %shift_right_arithmetic3A_399 = arith.shrsi %get3A_393, %shift_right_arithmetic3A_398 : vector<16xi32>
          %shift_left3A_400 = arith.constant 7 : i32
          %shift_left3A_401 = vector.broadcast %shift_left3A_400 : i32 to vector<16xi32>
          %shift_left3A_402 = arith.shli %shift_right_arithmetic3A_399, %shift_left3A_401 : vector<16xi32>
          %add3A_403 = vector.broadcast %add3A_396 : i32 to vector<16xi32>
          %add3A_404 = arith.addi %add3A_403, %shift_left3A_402 : vector<16xi32>
          %shift_right_arithmetic3A_405 = arith.constant 2 : i32
          %shift_right_arithmetic3A_406 = vector.broadcast %shift_right_arithmetic3A_405 : i32 to vector<16xi32>
          %shift_right_arithmetic3A_407 = arith.shrsi %get3A_393, %shift_right_arithmetic3A_406 : vector<16xi32>
          %and3A_408 = arith.constant 127 : i32
          %and3A_409 = vector.broadcast %and3A_408 : i32 to vector<16xi32>
          %and3A_410 = arith.andi %shift_right_arithmetic3A_407, %and3A_409 : vector<16xi32>
          %add3A_411 = arith.addi %add3A_404, %and3A_410 : vector<16xi32>
          %and3A_412 = arith.constant 3 : i32
          %and3A_413 = vector.broadcast %and3A_412 : i32 to vector<16xi32>
          %and3A_414 = arith.andi %get3A_393, %and3A_413 : vector<16xi32>
          %shift_left3A_415 = arith.constant 3 : i32
          %shift_left3A_416 = vector.broadcast %shift_left3A_415 : i32 to vector<16xi32>
          %shift_left3A_417 = arith.shli %and3A_414, %shift_left3A_416 : vector<16xi32>
          %shift_right_arithmetic3A_418 = arith.constant 9 : i32
          %shift_right_arithmetic3A_419 = vector.broadcast %shift_right_arithmetic3A_418 : i32 to vector<16xi32>
          %shift_right_arithmetic3A_420 = arith.shrsi %get3A_393, %shift_right_arithmetic3A_419 : vector<16xi32>
          %and3A_421 = arith.constant 7 : i32
          %and3A_422 = vector.broadcast %and3A_421 : i32 to vector<16xi32>
          %and3A_423 = arith.andi %shift_right_arithmetic3A_420, %and3A_422 : vector<16xi32>
          %add3A_424 = arith.addi %shift_left3A_417, %and3A_423 : vector<16xi32>
          %shift_left3A_425 = arith.constant 1 : i32
          %shift_left3A_426 = vector.broadcast %shift_left3A_425 : i32 to vector<16xi32>
          %shift_left3A_427 = arith.shli %shift_left3A_426, %add3A_424 : vector<16xi32>
          tpu.vector_store_idx %arg5[%add3A_411], %broadcast_in_dim3A_3 : memref<51200xi32, #tpu.memory_space<vmem>>[vector<16xi32>], vector<16xi32>,
          %get3A_428 = arith.index_cast %add3A_61 : i32 to index
          %get3A_429 = arith.constant 160 : index
          %get3A_430 = tpu.vector_load %arg4[%get3A_428, %get3A_429] {strides = array<i32>} : memref<32x208xi32, #tpu.memory_space<vmem>>, vector<16xi32>,
          %mul3A_431 = arith.constant 3200 : i32
          %mul3A_432 = arith.muli %scan3A_57, %mul3A_431 : i32
          %add3A_433 = arith.addi %mul3A_26, %mul3A_432 : i32
          %shift_right_arithmetic3A_434 = arith.constant 12 : i32
          %shift_right_arithmetic3A_435 = vector.broadcast %shift_right_arithmetic3A_434 : i32 to vector<16xi32>
          %shift_right_arithmetic3A_436 = arith.shrsi %get3A_430, %shift_right_arithmetic3A_435 : vector<16xi32>
          %shift_left3A_437 = arith.constant 7 : i32
          %shift_left3A_438 = vector.broadcast %shift_left3A_437 : i32 to vector<16xi32>
          %shift_left3A_439 = arith.shli %shift_right_arithmetic3A_436, %shift_left3A_438 : vector<16xi32>
          %add3A_440 = vector.broadcast %add3A_433 : i32 to vector<16xi32>
          %add3A_441 = arith.addi %add3A_440, %shift_left3A_439 : vector<16xi32>
          %shift_right_arithmetic3A_442 = arith.constant 2 : i32
          %shift_right_arithmetic3A_443 = vector.broadcast %shift_right_arithmetic3A_442 : i32 to vector<16xi32>
          %shift_right_arithmetic3A_444 = arith.shrsi %get3A_430, %shift_right_arithmetic3A_443 : vector<16xi32>
          %and3A_445 = arith.constant 127 : i32
          %and3A_446 = vector.broadcast %and3A_445 : i32 to vector<16xi32>
          %and3A_447 = arith.andi %shift_right_arithmetic3A_444, %and3A_446 : vector<16xi32>
          %add3A_448 = arith.addi %add3A_441, %and3A_447 : vector<16xi32>
          %and3A_449 = arith.constant 3 : i32
          %and3A_450 = vector.broadcast %and3A_449 : i32 to vector<16xi32>
          %and3A_451 = arith.andi %get3A_430, %and3A_450 : vector<16xi32>
          %shift_left3A_452 = arith.constant 3 : i32
          %shift_left3A_453 = vector.broadcast %shift_left3A_452 : i32 to vector<16xi32>
          %shift_left3A_454 = arith.shli %and3A_451, %shift_left3A_453 : vector<16xi32>
          %shift_right_arithmetic3A_455 = arith.constant 9 : i32
          %shift_right_arithmetic3A_456 = vector.broadcast %shift_right_arithmetic3A_455 : i32 to vector<16xi32>
          %shift_right_arithmetic3A_457 = arith.shrsi %get3A_430, %shift_right_arithmetic3A_456 : vector<16xi32>
          %and3A_458 = arith.constant 7 : i32
          %and3A_459 = vector.broadcast %and3A_458 : i32 to vector<16xi32>
          %and3A_460 = arith.andi %shift_right_arithmetic3A_457, %and3A_459 : vector<16xi32>
          %add3A_461 = arith.addi %shift_left3A_454, %and3A_460 : vector<16xi32>
          %shift_left3A_462 = arith.constant 1 : i32
          %shift_left3A_463 = vector.broadcast %shift_left3A_462 : i32 to vector<16xi32>
          %shift_left3A_464 = arith.shli %shift_left3A_463, %add3A_461 : vector<16xi32>
          tpu.vector_store_idx %arg5[%add3A_448], %broadcast_in_dim3A_3 : memref<51200xi32, #tpu.memory_space<vmem>>[vector<16xi32>], vector<16xi32>,
          %get3A_465 = arith.index_cast %add3A_61 : i32 to index
          %get3A_466 = arith.constant 176 : index
          %get3A_467 = tpu.vector_load %arg4[%get3A_465, %get3A_466] {strides = array<i32>} : memref<32x208xi32, #tpu.memory_space<vmem>>, vector<16xi32>,
          %mul3A_468 = arith.constant 3200 : i32
          %mul3A_469 = arith.muli %scan3A_57, %mul3A_468 : i32
          %add3A_470 = arith.addi %mul3A_26, %mul3A_469 : i32
          %shift_right_arithmetic3A_471 = arith.constant 12 : i32
          %shift_right_arithmetic3A_472 = vector.broadcast %shift_right_arithmetic3A_471 : i32 to vector<16xi32>
          %shift_right_arithmetic3A_473 = arith.shrsi %get3A_467, %shift_right_arithmetic3A_472 : vector<16xi32>
          %shift_left3A_474 = arith.constant 7 : i32
          %shift_left3A_475 = vector.broadcast %shift_left3A_474 : i32 to vector<16xi32>
          %shift_left3A_476 = arith.shli %shift_right_arithmetic3A_473, %shift_left3A_475 : vector<16xi32>
          %add3A_477 = vector.broadcast %add3A_470 : i32 to vector<16xi32>
          %add3A_478 = arith.addi %add3A_477, %shift_left3A_476 : vector<16xi32>
          %shift_right_arithmetic3A_479 = arith.constant 2 : i32
          %shift_right_arithmetic3A_480 = vector.broadcast %shift_right_arithmetic3A_479 : i32 to vector<16xi32>
          %shift_right_arithmetic3A_481 = arith.shrsi %get3A_467, %shift_right_arithmetic3A_480 : vector<16xi32>
          %and3A_482 = arith.constant 127 : i32
          %and3A_483 = vector.broadcast %and3A_482 : i32 to vector<16xi32>
          %and3A_484 = arith.andi %shift_right_arithmetic3A_481, %and3A_483 : vector<16xi32>
          %add3A_485 = arith.addi %add3A_478, %and3A_484 : vector<16xi32>
          %and3A_486 = arith.constant 3 : i32
          %and3A_487 = vector.broadcast %and3A_486 : i32 to vector<16xi32>
          %and3A_488 = arith.andi %get3A_467, %and3A_487 : vector<16xi32>
          %shift_left3A_489 = arith.constant 3 : i32
          %shift_left3A_490 = vector.broadcast %shift_left3A_489 : i32 to vector<16xi32>
          %shift_left3A_491 = arith.shli %and3A_488, %shift_left3A_490 : vector<16xi32>
          %shift_right_arithmetic3A_492 = arith.constant 9 : i32
          %shift_right_arithmetic3A_493 = vector.broadcast %shift_right_arithmetic3A_492 : i32 to vector<16xi32>
          %shift_right_arithmetic3A_494 = arith.shrsi %get3A_467, %shift_right_arithmetic3A_493 : vector<16xi32>
          %and3A_495 = arith.constant 7 : i32
          %and3A_496 = vector.broadcast %and3A_495 : i32 to vector<16xi32>
          %and3A_497 = arith.andi %shift_right_arithmetic3A_494, %and3A_496 : vector<16xi32>
          %add3A_498 = arith.addi %shift_left3A_491, %and3A_497 : vector<16xi32>
          %shift_left3A_499 = arith.constant 1 : i32
          %shift_left3A_500 = vector.broadcast %shift_left3A_499 : i32 to vector<16xi32>
          %shift_left3A_501 = arith.shli %shift_left3A_500, %add3A_498 : vector<16xi32>
          tpu.vector_store_idx %arg5[%add3A_485], %broadcast_in_dim3A_3 : memref<51200xi32, #tpu.memory_space<vmem>>[vector<16xi32>], vector<16xi32>,
          %get3A_502 = arith.index_cast %add3A_61 : i32 to index
          %get3A_503 = arith.constant 192 : index
          %get3A_504 = tpu.vector_load %arg4[%get3A_502, %get3A_503] {strides = array<i32>} : memref<32x208xi32, #tpu.memory_space<vmem>>, vector<16xi32>,
          %mul3A_505 = arith.constant 3200 : i32
          %mul3A_506 = arith.muli %scan3A_57, %mul3A_505 : i32
          %add3A_507 = arith.addi %mul3A_26, %mul3A_506 : i32
          %shift_right_arithmetic3A_508 = arith.constant 12 : i32
          %shift_right_arithmetic3A_509 = vector.broadcast %shift_right_arithmetic3A_508 : i32 to vector<16xi32>
          %shift_right_arithmetic3A_510 = arith.shrsi %get3A_504, %shift_right_arithmetic3A_509 : vector<16xi32>
          %shift_left3A_511 = arith.constant 7 : i32
          %shift_left3A_512 = vector.broadcast %shift_left3A_511 : i32 to vector<16xi32>
          %shift_left3A_513 = arith.shli %shift_right_arithmetic3A_510, %shift_left3A_512 : vector<16xi32>
          %add3A_514 = vector.broadcast %add3A_507 : i32 to vector<16xi32>
          %add3A_515 = arith.addi %add3A_514, %shift_left3A_513 : vector<16xi32>
          %shift_right_arithmetic3A_516 = arith.constant 2 : i32
          %shift_right_arithmetic3A_517 = vector.broadcast %shift_right_arithmetic3A_516 : i32 to vector<16xi32>
          %shift_right_arithmetic3A_518 = arith.shrsi %get3A_504, %shift_right_arithmetic3A_517 : vector<16xi32>
          %and3A_519 = arith.constant 127 : i32
          %and3A_520 = vector.broadcast %and3A_519 : i32 to vector<16xi32>
          %and3A_521 = arith.andi %shift_right_arithmetic3A_518, %and3A_520 : vector<16xi32>
          %add3A_522 = arith.addi %add3A_515, %and3A_521 : vector<16xi32>
          %and3A_523 = arith.constant 3 : i32
          %and3A_524 = vector.broadcast %and3A_523 : i32 to vector<16xi32>
          %and3A_525 = arith.andi %get3A_504, %and3A_524 : vector<16xi32>
          %shift_left3A_526 = arith.constant 3 : i32
          %shift_left3A_527 = vector.broadcast %shift_left3A_526 : i32 to vector<16xi32>
          %shift_left3A_528 = arith.shli %and3A_525, %shift_left3A_527 : vector<16xi32>
          %shift_right_arithmetic3A_529 = arith.constant 9 : i32
          %shift_right_arithmetic3A_530 = vector.broadcast %shift_right_arithmetic3A_529 : i32 to vector<16xi32>
          %shift_right_arithmetic3A_531 = arith.shrsi %get3A_504, %shift_right_arithmetic3A_530 : vector<16xi32>
          %and3A_532 = arith.constant 7 : i32
          %and3A_533 = vector.broadcast %and3A_532 : i32 to vector<16xi32>
          %and3A_534 = arith.andi %shift_right_arithmetic3A_531, %and3A_533 : vector<16xi32>
          %add3A_535 = arith.addi %shift_left3A_528, %and3A_534 : vector<16xi32>
          %shift_left3A_536 = arith.constant 1 : i32
          %shift_left3A_537 = vector.broadcast %shift_left3A_536 : i32 to vector<16xi32>
          %shift_left3A_538 = arith.shli %shift_left3A_537, %add3A_535 : vector<16xi32>
          tpu.vector_store_idx %arg5[%add3A_522], %broadcast_in_dim3A_3 : memref<51200xi32, #tpu.memory_space<vmem>>[vector<16xi32>], vector<16xi32>,
        }
        %scan3A_56 = arith.constant 8 : i32
      } else {
      }
      %scan3A_29 = arith.constant 0 : i32
      %scan3A_30 = arith.constant 0 : i32
      %scan3A_31 = arith.constant 8 : i32
      %scan3A_32 = arith.addi %scan3A_30, %scan3A_31 : i32
      %scan3A_33 = arith.constant 1 : i32
      scf.for %scan3A_43 = %scan3A_30 to %scan3A_32 step %scan3A_33  : i32 {
        %mul3A_44 = arith.constant 8 : i32
        %mul3A_45 = arith.muli %scan3A_23, %mul3A_44 : i32
        %add3A_46 = arith.addi %mul3A_45, %scan3A_43 : i32
        %get3A = arith.index_cast %add3A_46 : i32 to index
        %get3A_47 = arith.constant 0 : index
        %get3A_48 = tpu.vector_load %arg4[%get3A, %get3A_47] {strides = array<i32>} : memref<32x208xi32, #tpu.memory_space<vmem>>, vector<16xi32>,
        %mul3A_49 = arith.constant 3200 : i32
        %mul3A_50 = arith.muli %scan3A_43, %mul3A_49 : i32
        %add3A_51 = arith.addi %mul3A_26, %mul3A_50 : i32
        %shift_right_arithmetic3A = arith.constant 12 : i32
        %shift_right_arithmetic3A_52 = vector.broadcast %shift_right_arithmetic3A : i32 to vector<16xi32>
        %shift_right_arithmetic3A_53 = arith.shrsi %get3A_48, %shift_right_arithmetic3A_52 : vector<16xi32>
        %shift_left3A = arith.constant 7 : i32
        %shift_left3A_54 = vector.broadcast %shift_left3A : i32 to vector<16xi32>
        %shift_left3A_55 = arith.shli %shift_right_arithmetic3A_53, %shift_left3A_54 : vector<16xi32>
        %add3A_56 = vector.broadcast %add3A_51 : i32 to vector<16xi32>
        %add3A_57 = arith.addi %add3A_56, %shift_left3A_55 : vector<16xi32>
        %shift_right_arithmetic3A_58 = arith.constant 2 : i32
        %shift_right_arithmetic3A_59 = vector.broadcast %shift_right_arithmetic3A_58 : i32 to vector<16xi32>
        %shift_right_arithmetic3A_60 = arith.shrsi %get3A_48, %shift_right_arithmetic3A_59 : vector<16xi32>
        %and3A = arith.constant 127 : i32
        %and3A_61 = vector.broadcast %and3A : i32 to vector<16xi32>
        %and3A_62 = arith.andi %shift_right_arithmetic3A_60, %and3A_61 : vector<16xi32>
        %add3A_63 = arith.addi %add3A_57, %and3A_62 : vector<16xi32>
        %and3A_64 = arith.constant 3 : i32
        %and3A_65 = vector.broadcast %and3A_64 : i32 to vector<16xi32>
        %and3A_66 = arith.andi %get3A_48, %and3A_65 : vector<16xi32>
        %shift_left3A_67 = arith.constant 3 : i32
        %shift_left3A_68 = vector.broadcast %shift_left3A_67 : i32 to vector<16xi32>
        %shift_left3A_69 = arith.shli %and3A_66, %shift_left3A_68 : vector<16xi32>
        %shift_right_arithmetic3A_70 = arith.constant 9 : i32
        %shift_right_arithmetic3A_71 = vector.broadcast %shift_right_arithmetic3A_70 : i32 to vector<16xi32>
        %shift_right_arithmetic3A_72 = arith.shrsi %get3A_48, %shift_right_arithmetic3A_71 : vector<16xi32>
        %and3A_73 = arith.constant 7 : i32
        %and3A_74 = vector.broadcast %and3A_73 : i32 to vector<16xi32>
        %and3A_75 = arith.andi %shift_right_arithmetic3A_72, %and3A_74 : vector<16xi32>
        %add3A_76 = arith.addi %shift_left3A_69, %and3A_75 : vector<16xi32>
        %shift_left3A_77 = arith.constant 1 : i32
        %shift_left3A_78 = vector.broadcast %shift_left3A_77 : i32 to vector<16xi32>
        %shift_left3A_79 = arith.shli %shift_left3A_78, %add3A_76 : vector<16xi32>
        %while3A = scf.while (%while3A_536 = %broadcast_in_dim3A_5) : (vector<16xi1>) -> vector<16xi1> {
          %reduce_or3A = arith.constant 1.000000e+00 : f32
          %reduce_or3A_537 = arith.constant 0.000000e+00 : f32
          %reduce_or3A_538 = vector.broadcast %reduce_or3A : f32 to vector<16xf32>
          %reduce_or3A_539 = vector.broadcast %reduce_or3A_537 : f32 to vector<16xf32>
          %reduce_or3A_540 = arith.select %while3A_536, %reduce_or3A_538, %reduce_or3A_539 : vector<16xi1>, vector<16xf32>
          %reduce_or3A_541 = arith.constant true
          %reduce_or3A_542 = vector.broadcast %reduce_or3A_541 : i1 to vector<16xi1>
          %reduce_or3A_543 = tpu.scan <max>, %reduce_or3A_540 masked %reduce_or3A_542 : vector<16xf32>, vector<16xi1> -> vector<16xf32>
          %reduce_or3A_544 = vector.extract %reduce_or3A_543[15] : f32 from vector<16xf32>
          %reduce_or3A_545 = arith.constant 0.000000e+00 : f32
          %reduce_or3A_546 = arith.cmpf ogt, %reduce_or3A_544, %reduce_or3A_545 : f32
          scf.condition(%reduce_or3A_546) %while3A_536 : vector<16xi1>
        } do {
        ^bb0(%while3A_536: vector<16xi1>):
          %gather3A = tpu.vector_load_idx %arg5[%add3A_63] : memref<51200xi32, #tpu.memory_space<vmem>>[vector<16xi32>], vector<16xi32>,
          %or3A = arith.ori %gather3A, %shift_left3A_79 : vector<16xi32>
          tpu.vector_store_idx %arg5[%add3A_63], %or3A masked %while3A_536 : memref<51200xi32, #tpu.memory_space<vmem>>[vector<16xi32>], vector<16xi32>, vector<16xi1>
          %gather3A_537 = tpu.vector_load_idx %arg5[%add3A_63] : memref<51200xi32, #tpu.memory_space<vmem>>[vector<16xi32>], vector<16xi32>,
          %and3A_538 = arith.andi %gather3A_537, %shift_left3A_79 : vector<16xi32>
          %ne3A = arith.cmpi ne, %and3A_538, %shift_left3A_79 : vector<16xi32>
          %and3A_539 = arith.andi %while3A_536, %ne3A : vector<16xi1>
          scf.yield %and3A_539 : vector<16xi1>
        }
        %get3A_80 = arith.index_cast %add3A_46 : i32 to index
        %get3A_81 = arith.constant 16 : index
        %get3A_82 = tpu.vector_load %arg4[%get3A_80, %get3A_81] {strides = array<i32>} : memref<32x208xi32, #tpu.memory_space<vmem>>, vector<16xi32>,
        %mul3A_83 = arith.constant 3200 : i32
        %mul3A_84 = arith.muli %scan3A_43, %mul3A_83 : i32
        %add3A_85 = arith.addi %mul3A_26, %mul3A_84 : i32
        %shift_right_arithmetic3A_86 = arith.constant 12 : i32
        %shift_right_arithmetic3A_87 = vector.broadcast %shift_right_arithmetic3A_86 : i32 to vector<16xi32>
        %shift_right_arithmetic3A_88 = arith.shrsi %get3A_82, %shift_right_arithmetic3A_87 : vector<16xi32>
        %shift_left3A_89 = arith.constant 7 : i32
        %shift_left3A_90 = vector.broadcast %shift_left3A_89 : i32 to vector<16xi32>
        %shift_left3A_91 = arith.shli %shift_right_arithmetic3A_88, %shift_left3A_90 : vector<16xi32>
        %add3A_92 = vector.broadcast %add3A_85 : i32 to vector<16xi32>
        %add3A_93 = arith.addi %add3A_92, %shift_left3A_91 : vector<16xi32>
        %shift_right_arithmetic3A_94 = arith.constant 2 : i32
        %shift_right_arithmetic3A_95 = vector.broadcast %shift_right_arithmetic3A_94 : i32 to vector<16xi32>
        %shift_right_arithmetic3A_96 = arith.shrsi %get3A_82, %shift_right_arithmetic3A_95 : vector<16xi32>
        %and3A_97 = arith.constant 127 : i32
        %and3A_98 = vector.broadcast %and3A_97 : i32 to vector<16xi32>
        %and3A_99 = arith.andi %shift_right_arithmetic3A_96, %and3A_98 : vector<16xi32>
        %add3A_100 = arith.addi %add3A_93, %and3A_99 : vector<16xi32>
        %and3A_101 = arith.constant 3 : i32
        %and3A_102 = vector.broadcast %and3A_101 : i32 to vector<16xi32>
        %and3A_103 = arith.andi %get3A_82, %and3A_102 : vector<16xi32>
        %shift_left3A_104 = arith.constant 3 : i32
        %shift_left3A_105 = vector.broadcast %shift_left3A_104 : i32 to vector<16xi32>
        %shift_left3A_106 = arith.shli %and3A_103, %shift_left3A_105 : vector<16xi32>
        %shift_right_arithmetic3A_107 = arith.constant 9 : i32
        %shift_right_arithmetic3A_108 = vector.broadcast %shift_right_arithmetic3A_107 : i32 to vector<16xi32>
        %shift_right_arithmetic3A_109 = arith.shrsi %get3A_82, %shift_right_arithmetic3A_108 : vector<16xi32>
        %and3A_110 = arith.constant 7 : i32
        %and3A_111 = vector.broadcast %and3A_110 : i32 to vector<16xi32>
        %and3A_112 = arith.andi %shift_right_arithmetic3A_109, %and3A_111 : vector<16xi32>
        %add3A_113 = arith.addi %shift_left3A_106, %and3A_112 : vector<16xi32>
        %shift_left3A_114 = arith.constant 1 : i32
        %shift_left3A_115 = vector.broadcast %shift_left3A_114 : i32 to vector<16xi32>
        %shift_left3A_116 = arith.shli %shift_left3A_115, %add3A_113 : vector<16xi32>
        %while3A_117 = scf.while (%while3A_536 = %broadcast_in_dim3A_5) : (vector<16xi1>) -> vector<16xi1> {
          %reduce_or3A = arith.constant 1.000000e+00 : f32
          %reduce_or3A_537 = arith.constant 0.000000e+00 : f32
          %reduce_or3A_538 = vector.broadcast %reduce_or3A : f32 to vector<16xf32>
          %reduce_or3A_539 = vector.broadcast %reduce_or3A_537 : f32 to vector<16xf32>
          %reduce_or3A_540 = arith.select %while3A_536, %reduce_or3A_538, %reduce_or3A_539 : vector<16xi1>, vector<16xf32>
          %reduce_or3A_541 = arith.constant true
          %reduce_or3A_542 = vector.broadcast %reduce_or3A_541 : i1 to vector<16xi1>
          %reduce_or3A_543 = tpu.scan <max>, %reduce_or3A_540 masked %reduce_or3A_542 : vector<16xf32>, vector<16xi1> -> vector<16xf32>
          %reduce_or3A_544 = vector.extract %reduce_or3A_543[15] : f32 from vector<16xf32>
          %reduce_or3A_545 = arith.constant 0.000000e+00 : f32
          %reduce_or3A_546 = arith.cmpf ogt, %reduce_or3A_544, %reduce_or3A_545 : f32
          scf.condition(%reduce_or3A_546) %while3A_536 : vector<16xi1>
        } do {
        ^bb0(%while3A_536: vector<16xi1>):
          %gather3A = tpu.vector_load_idx %arg5[%add3A_100] : memref<51200xi32, #tpu.memory_space<vmem>>[vector<16xi32>], vector<16xi32>,
          %or3A = arith.ori %gather3A, %shift_left3A_116 : vector<16xi32>
          tpu.vector_store_idx %arg5[%add3A_100], %or3A masked %while3A_536 : memref<51200xi32, #tpu.memory_space<vmem>>[vector<16xi32>], vector<16xi32>, vector<16xi1>
          %gather3A_537 = tpu.vector_load_idx %arg5[%add3A_100] : memref<51200xi32, #tpu.memory_space<vmem>>[vector<16xi32>], vector<16xi32>,
          %and3A_538 = arith.andi %gather3A_537, %shift_left3A_116 : vector<16xi32>
          %ne3A = arith.cmpi ne, %and3A_538, %shift_left3A_116 : vector<16xi32>
          %and3A_539 = arith.andi %while3A_536, %ne3A : vector<16xi1>
          scf.yield %and3A_539 : vector<16xi1>
        }
        %get3A_118 = arith.index_cast %add3A_46 : i32 to index
        %get3A_119 = arith.constant 32 : index
        %get3A_120 = tpu.vector_load %arg4[%get3A_118, %get3A_119] {strides = array<i32>} : memref<32x208xi32, #tpu.memory_space<vmem>>, vector<16xi32>,
        %mul3A_121 = arith.constant 3200 : i32
        %mul3A_122 = arith.muli %scan3A_43, %mul3A_121 : i32
        %add3A_123 = arith.addi %mul3A_26, %mul3A_122 : i32
        %shift_right_arithmetic3A_124 = arith.constant 12 : i32
        %shift_right_arithmetic3A_125 = vector.broadcast %shift_right_arithmetic3A_124 : i32 to vector<16xi32>
        %shift_right_arithmetic3A_126 = arith.shrsi %get3A_120, %shift_right_arithmetic3A_125 : vector<16xi32>
        %shift_left3A_127 = arith.constant 7 : i32
        %shift_left3A_128 = vector.broadcast %shift_left3A_127 : i32 to vector<16xi32>
        %shift_left3A_129 = arith.shli %shift_right_arithmetic3A_126, %shift_left3A_128 : vector<16xi32>
        %add3A_130 = vector.broadcast %add3A_123 : i32 to vector<16xi32>
        %add3A_131 = arith.addi %add3A_130, %shift_left3A_129 : vector<16xi32>
        %shift_right_arithmetic3A_132 = arith.constant 2 : i32
        %shift_right_arithmetic3A_133 = vector.broadcast %shift_right_arithmetic3A_132 : i32 to vector<16xi32>
        %shift_right_arithmetic3A_134 = arith.shrsi %get3A_120, %shift_right_arithmetic3A_133 : vector<16xi32>
        %and3A_135 = arith.constant 127 : i32
        %and3A_136 = vector.broadcast %and3A_135 : i32 to vector<16xi32>
        %and3A_137 = arith.andi %shift_right_arithmetic3A_134, %and3A_136 : vector<16xi32>
        %add3A_138 = arith.addi %add3A_131, %and3A_137 : vector<16xi32>
        %and3A_139 = arith.constant 3 : i32
        %and3A_140 = vector.broadcast %and3A_139 : i32 to vector<16xi32>
        %and3A_141 = arith.andi %get3A_120, %and3A_140 : vector<16xi32>
        %shift_left3A_142 = arith.constant 3 : i32
        %shift_left3A_143 = vector.broadcast %shift_left3A_142 : i32 to vector<16xi32>
        %shift_left3A_144 = arith.shli %and3A_141, %shift_left3A_143 : vector<16xi32>
        %shift_right_arithmetic3A_145 = arith.constant 9 : i32
        %shift_right_arithmetic3A_146 = vector.broadcast %shift_right_arithmetic3A_145 : i32 to vector<16xi32>
        %shift_right_arithmetic3A_147 = arith.shrsi %get3A_120, %shift_right_arithmetic3A_146 : vector<16xi32>
        %and3A_148 = arith.constant 7 : i32
        %and3A_149 = vector.broadcast %and3A_148 : i32 to vector<16xi32>
        %and3A_150 = arith.andi %shift_right_arithmetic3A_147, %and3A_149 : vector<16xi32>
        %add3A_151 = arith.addi %shift_left3A_144, %and3A_150 : vector<16xi32>
        %shift_left3A_152 = arith.constant 1 : i32
        %shift_left3A_153 = vector.broadcast %shift_left3A_152 : i32 to vector<16xi32>
        %shift_left3A_154 = arith.shli %shift_left3A_153, %add3A_151 : vector<16xi32>
        %while3A_155 = scf.while (%while3A_536 = %broadcast_in_dim3A_5) : (vector<16xi1>) -> vector<16xi1> {
          %reduce_or3A = arith.constant 1.000000e+00 : f32
          %reduce_or3A_537 = arith.constant 0.000000e+00 : f32
          %reduce_or3A_538 = vector.broadcast %reduce_or3A : f32 to vector<16xf32>
          %reduce_or3A_539 = vector.broadcast %reduce_or3A_537 : f32 to vector<16xf32>
          %reduce_or3A_540 = arith.select %while3A_536, %reduce_or3A_538, %reduce_or3A_539 : vector<16xi1>, vector<16xf32>
          %reduce_or3A_541 = arith.constant true
          %reduce_or3A_542 = vector.broadcast %reduce_or3A_541 : i1 to vector<16xi1>
          %reduce_or3A_543 = tpu.scan <max>, %reduce_or3A_540 masked %reduce_or3A_542 : vector<16xf32>, vector<16xi1> -> vector<16xf32>
          %reduce_or3A_544 = vector.extract %reduce_or3A_543[15] : f32 from vector<16xf32>
          %reduce_or3A_545 = arith.constant 0.000000e+00 : f32
          %reduce_or3A_546 = arith.cmpf ogt, %reduce_or3A_544, %reduce_or3A_545 : f32
          scf.condition(%reduce_or3A_546) %while3A_536 : vector<16xi1>
        } do {
        ^bb0(%while3A_536: vector<16xi1>):
          %gather3A = tpu.vector_load_idx %arg5[%add3A_138] : memref<51200xi32, #tpu.memory_space<vmem>>[vector<16xi32>], vector<16xi32>,
          %or3A = arith.ori %gather3A, %shift_left3A_154 : vector<16xi32>
          tpu.vector_store_idx %arg5[%add3A_138], %or3A masked %while3A_536 : memref<51200xi32, #tpu.memory_space<vmem>>[vector<16xi32>], vector<16xi32>, vector<16xi1>
          %gather3A_537 = tpu.vector_load_idx %arg5[%add3A_138] : memref<51200xi32, #tpu.memory_space<vmem>>[vector<16xi32>], vector<16xi32>,
          %and3A_538 = arith.andi %gather3A_537, %shift_left3A_154 : vector<16xi32>
          %ne3A = arith.cmpi ne, %and3A_538, %shift_left3A_154 : vector<16xi32>
          %and3A_539 = arith.andi %while3A_536, %ne3A : vector<16xi1>
          scf.yield %and3A_539 : vector<16xi1>
        }
        %get3A_156 = arith.index_cast %add3A_46 : i32 to index
        %get3A_157 = arith.constant 48 : index
        %get3A_158 = tpu.vector_load %arg4[%get3A_156, %get3A_157] {strides = array<i32>} : memref<32x208xi32, #tpu.memory_space<vmem>>, vector<16xi32>,
        %mul3A_159 = arith.constant 3200 : i32
        %mul3A_160 = arith.muli %scan3A_43, %mul3A_159 : i32
        %add3A_161 = arith.addi %mul3A_26, %mul3A_160 : i32
        %shift_right_arithmetic3A_162 = arith.constant 12 : i32
        %shift_right_arithmetic3A_163 = vector.broadcast %shift_right_arithmetic3A_162 : i32 to vector<16xi32>
        %shift_right_arithmetic3A_164 = arith.shrsi %get3A_158, %shift_right_arithmetic3A_163 : vector<16xi32>
        %shift_left3A_165 = arith.constant 7 : i32
        %shift_left3A_166 = vector.broadcast %shift_left3A_165 : i32 to vector<16xi32>
        %shift_left3A_167 = arith.shli %shift_right_arithmetic3A_164, %shift_left3A_166 : vector<16xi32>
        %add3A_168 = vector.broadcast %add3A_161 : i32 to vector<16xi32>
        %add3A_169 = arith.addi %add3A_168, %shift_left3A_167 : vector<16xi32>
        %shift_right_arithmetic3A_170 = arith.constant 2 : i32
        %shift_right_arithmetic3A_171 = vector.broadcast %shift_right_arithmetic3A_170 : i32 to vector<16xi32>
        %shift_right_arithmetic3A_172 = arith.shrsi %get3A_158, %shift_right_arithmetic3A_171 : vector<16xi32>
        %and3A_173 = arith.constant 127 : i32
        %and3A_174 = vector.broadcast %and3A_173 : i32 to vector<16xi32>
        %and3A_175 = arith.andi %shift_right_arithmetic3A_172, %and3A_174 : vector<16xi32>
        %add3A_176 = arith.addi %add3A_169, %and3A_175 : vector<16xi32>
        %and3A_177 = arith.constant 3 : i32
        %and3A_178 = vector.broadcast %and3A_177 : i32 to vector<16xi32>
        %and3A_179 = arith.andi %get3A_158, %and3A_178 : vector<16xi32>
        %shift_left3A_180 = arith.constant 3 : i32
        %shift_left3A_181 = vector.broadcast %shift_left3A_180 : i32 to vector<16xi32>
        %shift_left3A_182 = arith.shli %and3A_179, %shift_left3A_181 : vector<16xi32>
        %shift_right_arithmetic3A_183 = arith.constant 9 : i32
        %shift_right_arithmetic3A_184 = vector.broadcast %shift_right_arithmetic3A_183 : i32 to vector<16xi32>
        %shift_right_arithmetic3A_185 = arith.shrsi %get3A_158, %shift_right_arithmetic3A_184 : vector<16xi32>
        %and3A_186 = arith.constant 7 : i32
        %and3A_187 = vector.broadcast %and3A_186 : i32 to vector<16xi32>
        %and3A_188 = arith.andi %shift_right_arithmetic3A_185, %and3A_187 : vector<16xi32>
        %add3A_189 = arith.addi %shift_left3A_182, %and3A_188 : vector<16xi32>
        %shift_left3A_190 = arith.constant 1 : i32
        %shift_left3A_191 = vector.broadcast %shift_left3A_190 : i32 to vector<16xi32>
        %shift_left3A_192 = arith.shli %shift_left3A_191, %add3A_189 : vector<16xi32>
        %while3A_193 = scf.while (%while3A_536 = %broadcast_in_dim3A_5) : (vector<16xi1>) -> vector<16xi1> {
          %reduce_or3A = arith.constant 1.000000e+00 : f32
          %reduce_or3A_537 = arith.constant 0.000000e+00 : f32
          %reduce_or3A_538 = vector.broadcast %reduce_or3A : f32 to vector<16xf32>
          %reduce_or3A_539 = vector.broadcast %reduce_or3A_537 : f32 to vector<16xf32>
          %reduce_or3A_540 = arith.select %while3A_536, %reduce_or3A_538, %reduce_or3A_539 : vector<16xi1>, vector<16xf32>
          %reduce_or3A_541 = arith.constant true
          %reduce_or3A_542 = vector.broadcast %reduce_or3A_541 : i1 to vector<16xi1>
          %reduce_or3A_543 = tpu.scan <max>, %reduce_or3A_540 masked %reduce_or3A_542 : vector<16xf32>, vector<16xi1> -> vector<16xf32>
          %reduce_or3A_544 = vector.extract %reduce_or3A_543[15] : f32 from vector<16xf32>
          %reduce_or3A_545 = arith.constant 0.000000e+00 : f32
          %reduce_or3A_546 = arith.cmpf ogt, %reduce_or3A_544, %reduce_or3A_545 : f32
          scf.condition(%reduce_or3A_546) %while3A_536 : vector<16xi1>
        } do {
        ^bb0(%while3A_536: vector<16xi1>):
          %gather3A = tpu.vector_load_idx %arg5[%add3A_176] : memref<51200xi32, #tpu.memory_space<vmem>>[vector<16xi32>], vector<16xi32>,
          %or3A = arith.ori %gather3A, %shift_left3A_192 : vector<16xi32>
          tpu.vector_store_idx %arg5[%add3A_176], %or3A masked %while3A_536 : memref<51200xi32, #tpu.memory_space<vmem>>[vector<16xi32>], vector<16xi32>, vector<16xi1>
          %gather3A_537 = tpu.vector_load_idx %arg5[%add3A_176] : memref<51200xi32, #tpu.memory_space<vmem>>[vector<16xi32>], vector<16xi32>,
          %and3A_538 = arith.andi %gather3A_537, %shift_left3A_192 : vector<16xi32>
          %ne3A = arith.cmpi ne, %and3A_538, %shift_left3A_192 : vector<16xi32>
          %and3A_539 = arith.andi %while3A_536, %ne3A : vector<16xi1>
          scf.yield %and3A_539 : vector<16xi1>
        }
        %get3A_194 = arith.index_cast %add3A_46 : i32 to index
        %get3A_195 = arith.constant 64 : index
        %get3A_196 = tpu.vector_load %arg4[%get3A_194, %get3A_195] {strides = array<i32>} : memref<32x208xi32, #tpu.memory_space<vmem>>, vector<16xi32>,
        %mul3A_197 = arith.constant 3200 : i32
        %mul3A_198 = arith.muli %scan3A_43, %mul3A_197 : i32
        %add3A_199 = arith.addi %mul3A_26, %mul3A_198 : i32
        %shift_right_arithmetic3A_200 = arith.constant 12 : i32
        %shift_right_arithmetic3A_201 = vector.broadcast %shift_right_arithmetic3A_200 : i32 to vector<16xi32>
        %shift_right_arithmetic3A_202 = arith.shrsi %get3A_196, %shift_right_arithmetic3A_201 : vector<16xi32>
        %shift_left3A_203 = arith.constant 7 : i32
        %shift_left3A_204 = vector.broadcast %shift_left3A_203 : i32 to vector<16xi32>
        %shift_left3A_205 = arith.shli %shift_right_arithmetic3A_202, %shift_left3A_204 : vector<16xi32>
        %add3A_206 = vector.broadcast %add3A_199 : i32 to vector<16xi32>
        %add3A_207 = arith.addi %add3A_206, %shift_left3A_205 : vector<16xi32>
        %shift_right_arithmetic3A_208 = arith.constant 2 : i32
        %shift_right_arithmetic3A_209 = vector.broadcast %shift_right_arithmetic3A_208 : i32 to vector<16xi32>
        %shift_right_arithmetic3A_210 = arith.shrsi %get3A_196, %shift_right_arithmetic3A_209 : vector<16xi32>
        %and3A_211 = arith.constant 127 : i32
        %and3A_212 = vector.broadcast %and3A_211 : i32 to vector<16xi32>
        %and3A_213 = arith.andi %shift_right_arithmetic3A_210, %and3A_212 : vector<16xi32>
        %add3A_214 = arith.addi %add3A_207, %and3A_213 : vector<16xi32>
        %and3A_215 = arith.constant 3 : i32
        %and3A_216 = vector.broadcast %and3A_215 : i32 to vector<16xi32>
        %and3A_217 = arith.andi %get3A_196, %and3A_216 : vector<16xi32>
        %shift_left3A_218 = arith.constant 3 : i32
        %shift_left3A_219 = vector.broadcast %shift_left3A_218 : i32 to vector<16xi32>
        %shift_left3A_220 = arith.shli %and3A_217, %shift_left3A_219 : vector<16xi32>
        %shift_right_arithmetic3A_221 = arith.constant 9 : i32
        %shift_right_arithmetic3A_222 = vector.broadcast %shift_right_arithmetic3A_221 : i32 to vector<16xi32>
        %shift_right_arithmetic3A_223 = arith.shrsi %get3A_196, %shift_right_arithmetic3A_222 : vector<16xi32>
        %and3A_224 = arith.constant 7 : i32
        %and3A_225 = vector.broadcast %and3A_224 : i32 to vector<16xi32>
        %and3A_226 = arith.andi %shift_right_arithmetic3A_223, %and3A_225 : vector<16xi32>
        %add3A_227 = arith.addi %shift_left3A_220, %and3A_226 : vector<16xi32>
        %shift_left3A_228 = arith.constant 1 : i32
        %shift_left3A_229 = vector.broadcast %shift_left3A_228 : i32 to vector<16xi32>
        %shift_left3A_230 = arith.shli %shift_left3A_229, %add3A_227 : vector<16xi32>
        %while3A_231 = scf.while (%while3A_536 = %broadcast_in_dim3A_5) : (vector<16xi1>) -> vector<16xi1> {
          %reduce_or3A = arith.constant 1.000000e+00 : f32
          %reduce_or3A_537 = arith.constant 0.000000e+00 : f32
          %reduce_or3A_538 = vector.broadcast %reduce_or3A : f32 to vector<16xf32>
          %reduce_or3A_539 = vector.broadcast %reduce_or3A_537 : f32 to vector<16xf32>
          %reduce_or3A_540 = arith.select %while3A_536, %reduce_or3A_538, %reduce_or3A_539 : vector<16xi1>, vector<16xf32>
          %reduce_or3A_541 = arith.constant true
          %reduce_or3A_542 = vector.broadcast %reduce_or3A_541 : i1 to vector<16xi1>
          %reduce_or3A_543 = tpu.scan <max>, %reduce_or3A_540 masked %reduce_or3A_542 : vector<16xf32>, vector<16xi1> -> vector<16xf32>
          %reduce_or3A_544 = vector.extract %reduce_or3A_543[15] : f32 from vector<16xf32>
          %reduce_or3A_545 = arith.constant 0.000000e+00 : f32
          %reduce_or3A_546 = arith.cmpf ogt, %reduce_or3A_544, %reduce_or3A_545 : f32
          scf.condition(%reduce_or3A_546) %while3A_536 : vector<16xi1>
        } do {
        ^bb0(%while3A_536: vector<16xi1>):
          %gather3A = tpu.vector_load_idx %arg5[%add3A_214] : memref<51200xi32, #tpu.memory_space<vmem>>[vector<16xi32>], vector<16xi32>,
          %or3A = arith.ori %gather3A, %shift_left3A_230 : vector<16xi32>
          tpu.vector_store_idx %arg5[%add3A_214], %or3A masked %while3A_536 : memref<51200xi32, #tpu.memory_space<vmem>>[vector<16xi32>], vector<16xi32>, vector<16xi1>
          %gather3A_537 = tpu.vector_load_idx %arg5[%add3A_214] : memref<51200xi32, #tpu.memory_space<vmem>>[vector<16xi32>], vector<16xi32>,
          %and3A_538 = arith.andi %gather3A_537, %shift_left3A_230 : vector<16xi32>
          %ne3A = arith.cmpi ne, %and3A_538, %shift_left3A_230 : vector<16xi32>
          %and3A_539 = arith.andi %while3A_536, %ne3A : vector<16xi1>
          scf.yield %and3A_539 : vector<16xi1>
        }
        %get3A_232 = arith.index_cast %add3A_46 : i32 to index
        %get3A_233 = arith.constant 80 : index
        %get3A_234 = tpu.vector_load %arg4[%get3A_232, %get3A_233] {strides = array<i32>} : memref<32x208xi32, #tpu.memory_space<vmem>>, vector<16xi32>,
        %mul3A_235 = arith.constant 3200 : i32
        %mul3A_236 = arith.muli %scan3A_43, %mul3A_235 : i32
        %add3A_237 = arith.addi %mul3A_26, %mul3A_236 : i32
        %shift_right_arithmetic3A_238 = arith.constant 12 : i32
        %shift_right_arithmetic3A_239 = vector.broadcast %shift_right_arithmetic3A_238 : i32 to vector<16xi32>
        %shift_right_arithmetic3A_240 = arith.shrsi %get3A_234, %shift_right_arithmetic3A_239 : vector<16xi32>
        %shift_left3A_241 = arith.constant 7 : i32
        %shift_left3A_242 = vector.broadcast %shift_left3A_241 : i32 to vector<16xi32>
        %shift_left3A_243 = arith.shli %shift_right_arithmetic3A_240, %shift_left3A_242 : vector<16xi32>
        %add3A_244 = vector.broadcast %add3A_237 : i32 to vector<16xi32>
        %add3A_245 = arith.addi %add3A_244, %shift_left3A_243 : vector<16xi32>
        %shift_right_arithmetic3A_246 = arith.constant 2 : i32
        %shift_right_arithmetic3A_247 = vector.broadcast %shift_right_arithmetic3A_246 : i32 to vector<16xi32>
        %shift_right_arithmetic3A_248 = arith.shrsi %get3A_234, %shift_right_arithmetic3A_247 : vector<16xi32>
        %and3A_249 = arith.constant 127 : i32
        %and3A_250 = vector.broadcast %and3A_249 : i32 to vector<16xi32>
        %and3A_251 = arith.andi %shift_right_arithmetic3A_248, %and3A_250 : vector<16xi32>
        %add3A_252 = arith.addi %add3A_245, %and3A_251 : vector<16xi32>
        %and3A_253 = arith.constant 3 : i32
        %and3A_254 = vector.broadcast %and3A_253 : i32 to vector<16xi32>
        %and3A_255 = arith.andi %get3A_234, %and3A_254 : vector<16xi32>
        %shift_left3A_256 = arith.constant 3 : i32
        %shift_left3A_257 = vector.broadcast %shift_left3A_256 : i32 to vector<16xi32>
        %shift_left3A_258 = arith.shli %and3A_255, %shift_left3A_257 : vector<16xi32>
        %shift_right_arithmetic3A_259 = arith.constant 9 : i32
        %shift_right_arithmetic3A_260 = vector.broadcast %shift_right_arithmetic3A_259 : i32 to vector<16xi32>
        %shift_right_arithmetic3A_261 = arith.shrsi %get3A_234, %shift_right_arithmetic3A_260 : vector<16xi32>
        %and3A_262 = arith.constant 7 : i32
        %and3A_263 = vector.broadcast %and3A_262 : i32 to vector<16xi32>
        %and3A_264 = arith.andi %shift_right_arithmetic3A_261, %and3A_263 : vector<16xi32>
        %add3A_265 = arith.addi %shift_left3A_258, %and3A_264 : vector<16xi32>
        %shift_left3A_266 = arith.constant 1 : i32
        %shift_left3A_267 = vector.broadcast %shift_left3A_266 : i32 to vector<16xi32>
        %shift_left3A_268 = arith.shli %shift_left3A_267, %add3A_265 : vector<16xi32>
        %while3A_269 = scf.while (%while3A_536 = %broadcast_in_dim3A_5) : (vector<16xi1>) -> vector<16xi1> {
          %reduce_or3A = arith.constant 1.000000e+00 : f32
          %reduce_or3A_537 = arith.constant 0.000000e+00 : f32
          %reduce_or3A_538 = vector.broadcast %reduce_or3A : f32 to vector<16xf32>
          %reduce_or3A_539 = vector.broadcast %reduce_or3A_537 : f32 to vector<16xf32>
          %reduce_or3A_540 = arith.select %while3A_536, %reduce_or3A_538, %reduce_or3A_539 : vector<16xi1>, vector<16xf32>
          %reduce_or3A_541 = arith.constant true
          %reduce_or3A_542 = vector.broadcast %reduce_or3A_541 : i1 to vector<16xi1>
          %reduce_or3A_543 = tpu.scan <max>, %reduce_or3A_540 masked %reduce_or3A_542 : vector<16xf32>, vector<16xi1> -> vector<16xf32>
          %reduce_or3A_544 = vector.extract %reduce_or3A_543[15] : f32 from vector<16xf32>
          %reduce_or3A_545 = arith.constant 0.000000e+00 : f32
          %reduce_or3A_546 = arith.cmpf ogt, %reduce_or3A_544, %reduce_or3A_545 : f32
          scf.condition(%reduce_or3A_546) %while3A_536 : vector<16xi1>
        } do {
        ^bb0(%while3A_536: vector<16xi1>):
          %gather3A = tpu.vector_load_idx %arg5[%add3A_252] : memref<51200xi32, #tpu.memory_space<vmem>>[vector<16xi32>], vector<16xi32>,
          %or3A = arith.ori %gather3A, %shift_left3A_268 : vector<16xi32>
          tpu.vector_store_idx %arg5[%add3A_252], %or3A masked %while3A_536 : memref<51200xi32, #tpu.memory_space<vmem>>[vector<16xi32>], vector<16xi32>, vector<16xi1>
          %gather3A_537 = tpu.vector_load_idx %arg5[%add3A_252] : memref<51200xi32, #tpu.memory_space<vmem>>[vector<16xi32>], vector<16xi32>,
          %and3A_538 = arith.andi %gather3A_537, %shift_left3A_268 : vector<16xi32>
          %ne3A = arith.cmpi ne, %and3A_538, %shift_left3A_268 : vector<16xi32>
          %and3A_539 = arith.andi %while3A_536, %ne3A : vector<16xi1>
          scf.yield %and3A_539 : vector<16xi1>
        }
        %get3A_270 = arith.index_cast %add3A_46 : i32 to index
        %get3A_271 = arith.constant 96 : index
        %get3A_272 = tpu.vector_load %arg4[%get3A_270, %get3A_271] {strides = array<i32>} : memref<32x208xi32, #tpu.memory_space<vmem>>, vector<16xi32>,
        %mul3A_273 = arith.constant 3200 : i32
        %mul3A_274 = arith.muli %scan3A_43, %mul3A_273 : i32
        %add3A_275 = arith.addi %mul3A_26, %mul3A_274 : i32
        %shift_right_arithmetic3A_276 = arith.constant 12 : i32
        %shift_right_arithmetic3A_277 = vector.broadcast %shift_right_arithmetic3A_276 : i32 to vector<16xi32>
        %shift_right_arithmetic3A_278 = arith.shrsi %get3A_272, %shift_right_arithmetic3A_277 : vector<16xi32>
        %shift_left3A_279 = arith.constant 7 : i32
        %shift_left3A_280 = vector.broadcast %shift_left3A_279 : i32 to vector<16xi32>
        %shift_left3A_281 = arith.shli %shift_right_arithmetic3A_278, %shift_left3A_280 : vector<16xi32>
        %add3A_282 = vector.broadcast %add3A_275 : i32 to vector<16xi32>
        %add3A_283 = arith.addi %add3A_282, %shift_left3A_281 : vector<16xi32>
        %shift_right_arithmetic3A_284 = arith.constant 2 : i32
        %shift_right_arithmetic3A_285 = vector.broadcast %shift_right_arithmetic3A_284 : i32 to vector<16xi32>
        %shift_right_arithmetic3A_286 = arith.shrsi %get3A_272, %shift_right_arithmetic3A_285 : vector<16xi32>
        %and3A_287 = arith.constant 127 : i32
        %and3A_288 = vector.broadcast %and3A_287 : i32 to vector<16xi32>
        %and3A_289 = arith.andi %shift_right_arithmetic3A_286, %and3A_288 : vector<16xi32>
        %add3A_290 = arith.addi %add3A_283, %and3A_289 : vector<16xi32>
        %and3A_291 = arith.constant 3 : i32
        %and3A_292 = vector.broadcast %and3A_291 : i32 to vector<16xi32>
        %and3A_293 = arith.andi %get3A_272, %and3A_292 : vector<16xi32>
        %shift_left3A_294 = arith.constant 3 : i32
        %shift_left3A_295 = vector.broadcast %shift_left3A_294 : i32 to vector<16xi32>
        %shift_left3A_296 = arith.shli %and3A_293, %shift_left3A_295 : vector<16xi32>
        %shift_right_arithmetic3A_297 = arith.constant 9 : i32
        %shift_right_arithmetic3A_298 = vector.broadcast %shift_right_arithmetic3A_297 : i32 to vector<16xi32>
        %shift_right_arithmetic3A_299 = arith.shrsi %get3A_272, %shift_right_arithmetic3A_298 : vector<16xi32>
        %and3A_300 = arith.constant 7 : i32
        %and3A_301 = vector.broadcast %and3A_300 : i32 to vector<16xi32>
        %and3A_302 = arith.andi %shift_right_arithmetic3A_299, %and3A_301 : vector<16xi32>
        %add3A_303 = arith.addi %shift_left3A_296, %and3A_302 : vector<16xi32>
        %shift_left3A_304 = arith.constant 1 : i32
        %shift_left3A_305 = vector.broadcast %shift_left3A_304 : i32 to vector<16xi32>
        %shift_left3A_306 = arith.shli %shift_left3A_305, %add3A_303 : vector<16xi32>
        %while3A_307 = scf.while (%while3A_536 = %broadcast_in_dim3A_5) : (vector<16xi1>) -> vector<16xi1> {
          %reduce_or3A = arith.constant 1.000000e+00 : f32
          %reduce_or3A_537 = arith.constant 0.000000e+00 : f32
          %reduce_or3A_538 = vector.broadcast %reduce_or3A : f32 to vector<16xf32>
          %reduce_or3A_539 = vector.broadcast %reduce_or3A_537 : f32 to vector<16xf32>
          %reduce_or3A_540 = arith.select %while3A_536, %reduce_or3A_538, %reduce_or3A_539 : vector<16xi1>, vector<16xf32>
          %reduce_or3A_541 = arith.constant true
          %reduce_or3A_542 = vector.broadcast %reduce_or3A_541 : i1 to vector<16xi1>
          %reduce_or3A_543 = tpu.scan <max>, %reduce_or3A_540 masked %reduce_or3A_542 : vector<16xf32>, vector<16xi1> -> vector<16xf32>
          %reduce_or3A_544 = vector.extract %reduce_or3A_543[15] : f32 from vector<16xf32>
          %reduce_or3A_545 = arith.constant 0.000000e+00 : f32
          %reduce_or3A_546 = arith.cmpf ogt, %reduce_or3A_544, %reduce_or3A_545 : f32
          scf.condition(%reduce_or3A_546) %while3A_536 : vector<16xi1>
        } do {
        ^bb0(%while3A_536: vector<16xi1>):
          %gather3A = tpu.vector_load_idx %arg5[%add3A_290] : memref<51200xi32, #tpu.memory_space<vmem>>[vector<16xi32>], vector<16xi32>,
          %or3A = arith.ori %gather3A, %shift_left3A_306 : vector<16xi32>
          tpu.vector_store_idx %arg5[%add3A_290], %or3A masked %while3A_536 : memref<51200xi32, #tpu.memory_space<vmem>>[vector<16xi32>], vector<16xi32>, vector<16xi1>
          %gather3A_537 = tpu.vector_load_idx %arg5[%add3A_290] : memref<51200xi32, #tpu.memory_space<vmem>>[vector<16xi32>], vector<16xi32>,
          %and3A_538 = arith.andi %gather3A_537, %shift_left3A_306 : vector<16xi32>
          %ne3A = arith.cmpi ne, %and3A_538, %shift_left3A_306 : vector<16xi32>
          %and3A_539 = arith.andi %while3A_536, %ne3A : vector<16xi1>
          scf.yield %and3A_539 : vector<16xi1>
        }
        %get3A_308 = arith.index_cast %add3A_46 : i32 to index
        %get3A_309 = arith.constant 112 : index
        %get3A_310 = tpu.vector_load %arg4[%get3A_308, %get3A_309] {strides = array<i32>} : memref<32x208xi32, #tpu.memory_space<vmem>>, vector<16xi32>,
        %mul3A_311 = arith.constant 3200 : i32
        %mul3A_312 = arith.muli %scan3A_43, %mul3A_311 : i32
        %add3A_313 = arith.addi %mul3A_26, %mul3A_312 : i32
        %shift_right_arithmetic3A_314 = arith.constant 12 : i32
        %shift_right_arithmetic3A_315 = vector.broadcast %shift_right_arithmetic3A_314 : i32 to vector<16xi32>
        %shift_right_arithmetic3A_316 = arith.shrsi %get3A_310, %shift_right_arithmetic3A_315 : vector<16xi32>
        %shift_left3A_317 = arith.constant 7 : i32
        %shift_left3A_318 = vector.broadcast %shift_left3A_317 : i32 to vector<16xi32>
        %shift_left3A_319 = arith.shli %shift_right_arithmetic3A_316, %shift_left3A_318 : vector<16xi32>
        %add3A_320 = vector.broadcast %add3A_313 : i32 to vector<16xi32>
        %add3A_321 = arith.addi %add3A_320, %shift_left3A_319 : vector<16xi32>
        %shift_right_arithmetic3A_322 = arith.constant 2 : i32
        %shift_right_arithmetic3A_323 = vector.broadcast %shift_right_arithmetic3A_322 : i32 to vector<16xi32>
        %shift_right_arithmetic3A_324 = arith.shrsi %get3A_310, %shift_right_arithmetic3A_323 : vector<16xi32>
        %and3A_325 = arith.constant 127 : i32
        %and3A_326 = vector.broadcast %and3A_325 : i32 to vector<16xi32>
        %and3A_327 = arith.andi %shift_right_arithmetic3A_324, %and3A_326 : vector<16xi32>
        %add3A_328 = arith.addi %add3A_321, %and3A_327 : vector<16xi32>
        %and3A_329 = arith.constant 3 : i32
        %and3A_330 = vector.broadcast %and3A_329 : i32 to vector<16xi32>
        %and3A_331 = arith.andi %get3A_310, %and3A_330 : vector<16xi32>
        %shift_left3A_332 = arith.constant 3 : i32
        %shift_left3A_333 = vector.broadcast %shift_left3A_332 : i32 to vector<16xi32>
        %shift_left3A_334 = arith.shli %and3A_331, %shift_left3A_333 : vector<16xi32>
        %shift_right_arithmetic3A_335 = arith.constant 9 : i32
        %shift_right_arithmetic3A_336 = vector.broadcast %shift_right_arithmetic3A_335 : i32 to vector<16xi32>
        %shift_right_arithmetic3A_337 = arith.shrsi %get3A_310, %shift_right_arithmetic3A_336 : vector<16xi32>
        %and3A_338 = arith.constant 7 : i32
        %and3A_339 = vector.broadcast %and3A_338 : i32 to vector<16xi32>
        %and3A_340 = arith.andi %shift_right_arithmetic3A_337, %and3A_339 : vector<16xi32>
        %add3A_341 = arith.addi %shift_left3A_334, %and3A_340 : vector<16xi32>
        %shift_left3A_342 = arith.constant 1 : i32
        %shift_left3A_343 = vector.broadcast %shift_left3A_342 : i32 to vector<16xi32>
        %shift_left3A_344 = arith.shli %shift_left3A_343, %add3A_341 : vector<16xi32>
        %while3A_345 = scf.while (%while3A_536 = %broadcast_in_dim3A_5) : (vector<16xi1>) -> vector<16xi1> {
          %reduce_or3A = arith.constant 1.000000e+00 : f32
          %reduce_or3A_537 = arith.constant 0.000000e+00 : f32
          %reduce_or3A_538 = vector.broadcast %reduce_or3A : f32 to vector<16xf32>
          %reduce_or3A_539 = vector.broadcast %reduce_or3A_537 : f32 to vector<16xf32>
          %reduce_or3A_540 = arith.select %while3A_536, %reduce_or3A_538, %reduce_or3A_539 : vector<16xi1>, vector<16xf32>
          %reduce_or3A_541 = arith.constant true
          %reduce_or3A_542 = vector.broadcast %reduce_or3A_541 : i1 to vector<16xi1>
          %reduce_or3A_543 = tpu.scan <max>, %reduce_or3A_540 masked %reduce_or3A_542 : vector<16xf32>, vector<16xi1> -> vector<16xf32>
          %reduce_or3A_544 = vector.extract %reduce_or3A_543[15] : f32 from vector<16xf32>
          %reduce_or3A_545 = arith.constant 0.000000e+00 : f32
          %reduce_or3A_546 = arith.cmpf ogt, %reduce_or3A_544, %reduce_or3A_545 : f32
          scf.condition(%reduce_or3A_546) %while3A_536 : vector<16xi1>
        } do {
        ^bb0(%while3A_536: vector<16xi1>):
          %gather3A = tpu.vector_load_idx %arg5[%add3A_328] : memref<51200xi32, #tpu.memory_space<vmem>>[vector<16xi32>], vector<16xi32>,
          %or3A = arith.ori %gather3A, %shift_left3A_344 : vector<16xi32>
          tpu.vector_store_idx %arg5[%add3A_328], %or3A masked %while3A_536 : memref<51200xi32, #tpu.memory_space<vmem>>[vector<16xi32>], vector<16xi32>, vector<16xi1>
          %gather3A_537 = tpu.vector_load_idx %arg5[%add3A_328] : memref<51200xi32, #tpu.memory_space<vmem>>[vector<16xi32>], vector<16xi32>,
          %and3A_538 = arith.andi %gather3A_537, %shift_left3A_344 : vector<16xi32>
          %ne3A = arith.cmpi ne, %and3A_538, %shift_left3A_344 : vector<16xi32>
          %and3A_539 = arith.andi %while3A_536, %ne3A : vector<16xi1>
          scf.yield %and3A_539 : vector<16xi1>
        }
        %get3A_346 = arith.index_cast %add3A_46 : i32 to index
        %get3A_347 = arith.constant 128 : index
        %get3A_348 = tpu.vector_load %arg4[%get3A_346, %get3A_347] {strides = array<i32>} : memref<32x208xi32, #tpu.memory_space<vmem>>, vector<16xi32>,
        %mul3A_349 = arith.constant 3200 : i32
        %mul3A_350 = arith.muli %scan3A_43, %mul3A_349 : i32
        %add3A_351 = arith.addi %mul3A_26, %mul3A_350 : i32
        %shift_right_arithmetic3A_352 = arith.constant 12 : i32
        %shift_right_arithmetic3A_353 = vector.broadcast %shift_right_arithmetic3A_352 : i32 to vector<16xi32>
        %shift_right_arithmetic3A_354 = arith.shrsi %get3A_348, %shift_right_arithmetic3A_353 : vector<16xi32>
        %shift_left3A_355 = arith.constant 7 : i32
        %shift_left3A_356 = vector.broadcast %shift_left3A_355 : i32 to vector<16xi32>
        %shift_left3A_357 = arith.shli %shift_right_arithmetic3A_354, %shift_left3A_356 : vector<16xi32>
        %add3A_358 = vector.broadcast %add3A_351 : i32 to vector<16xi32>
        %add3A_359 = arith.addi %add3A_358, %shift_left3A_357 : vector<16xi32>
        %shift_right_arithmetic3A_360 = arith.constant 2 : i32
        %shift_right_arithmetic3A_361 = vector.broadcast %shift_right_arithmetic3A_360 : i32 to vector<16xi32>
        %shift_right_arithmetic3A_362 = arith.shrsi %get3A_348, %shift_right_arithmetic3A_361 : vector<16xi32>
        %and3A_363 = arith.constant 127 : i32
        %and3A_364 = vector.broadcast %and3A_363 : i32 to vector<16xi32>
        %and3A_365 = arith.andi %shift_right_arithmetic3A_362, %and3A_364 : vector<16xi32>
        %add3A_366 = arith.addi %add3A_359, %and3A_365 : vector<16xi32>
        %and3A_367 = arith.constant 3 : i32
        %and3A_368 = vector.broadcast %and3A_367 : i32 to vector<16xi32>
        %and3A_369 = arith.andi %get3A_348, %and3A_368 : vector<16xi32>
        %shift_left3A_370 = arith.constant 3 : i32
        %shift_left3A_371 = vector.broadcast %shift_left3A_370 : i32 to vector<16xi32>
        %shift_left3A_372 = arith.shli %and3A_369, %shift_left3A_371 : vector<16xi32>
        %shift_right_arithmetic3A_373 = arith.constant 9 : i32
        %shift_right_arithmetic3A_374 = vector.broadcast %shift_right_arithmetic3A_373 : i32 to vector<16xi32>
        %shift_right_arithmetic3A_375 = arith.shrsi %get3A_348, %shift_right_arithmetic3A_374 : vector<16xi32>
        %and3A_376 = arith.constant 7 : i32
        %and3A_377 = vector.broadcast %and3A_376 : i32 to vector<16xi32>
        %and3A_378 = arith.andi %shift_right_arithmetic3A_375, %and3A_377 : vector<16xi32>
        %add3A_379 = arith.addi %shift_left3A_372, %and3A_378 : vector<16xi32>
        %shift_left3A_380 = arith.constant 1 : i32
        %shift_left3A_381 = vector.broadcast %shift_left3A_380 : i32 to vector<16xi32>
        %shift_left3A_382 = arith.shli %shift_left3A_381, %add3A_379 : vector<16xi32>
        %while3A_383 = scf.while (%while3A_536 = %broadcast_in_dim3A_5) : (vector<16xi1>) -> vector<16xi1> {
          %reduce_or3A = arith.constant 1.000000e+00 : f32
          %reduce_or3A_537 = arith.constant 0.000000e+00 : f32
          %reduce_or3A_538 = vector.broadcast %reduce_or3A : f32 to vector<16xf32>
          %reduce_or3A_539 = vector.broadcast %reduce_or3A_537 : f32 to vector<16xf32>
          %reduce_or3A_540 = arith.select %while3A_536, %reduce_or3A_538, %reduce_or3A_539 : vector<16xi1>, vector<16xf32>
          %reduce_or3A_541 = arith.constant true
          %reduce_or3A_542 = vector.broadcast %reduce_or3A_541 : i1 to vector<16xi1>
          %reduce_or3A_543 = tpu.scan <max>, %reduce_or3A_540 masked %reduce_or3A_542 : vector<16xf32>, vector<16xi1> -> vector<16xf32>
          %reduce_or3A_544 = vector.extract %reduce_or3A_543[15] : f32 from vector<16xf32>
          %reduce_or3A_545 = arith.constant 0.000000e+00 : f32
          %reduce_or3A_546 = arith.cmpf ogt, %reduce_or3A_544, %reduce_or3A_545 : f32
          scf.condition(%reduce_or3A_546) %while3A_536 : vector<16xi1>
        } do {
        ^bb0(%while3A_536: vector<16xi1>):
          %gather3A = tpu.vector_load_idx %arg5[%add3A_366] : memref<51200xi32, #tpu.memory_space<vmem>>[vector<16xi32>], vector<16xi32>,
          %or3A = arith.ori %gather3A, %shift_left3A_382 : vector<16xi32>
          tpu.vector_store_idx %arg5[%add3A_366], %or3A masked %while3A_536 : memref<51200xi32, #tpu.memory_space<vmem>>[vector<16xi32>], vector<16xi32>, vector<16xi1>
          %gather3A_537 = tpu.vector_load_idx %arg5[%add3A_366] : memref<51200xi32, #tpu.memory_space<vmem>>[vector<16xi32>], vector<16xi32>,
          %and3A_538 = arith.andi %gather3A_537, %shift_left3A_382 : vector<16xi32>
          %ne3A = arith.cmpi ne, %and3A_538, %shift_left3A_382 : vector<16xi32>
          %and3A_539 = arith.andi %while3A_536, %ne3A : vector<16xi1>
          scf.yield %and3A_539 : vector<16xi1>
        }
        %get3A_384 = arith.index_cast %add3A_46 : i32 to index
        %get3A_385 = arith.constant 144 : index
        %get3A_386 = tpu.vector_load %arg4[%get3A_384, %get3A_385] {strides = array<i32>} : memref<32x208xi32, #tpu.memory_space<vmem>>, vector<16xi32>,
        %mul3A_387 = arith.constant 3200 : i32
        %mul3A_388 = arith.muli %scan3A_43, %mul3A_387 : i32
        %add3A_389 = arith.addi %mul3A_26, %mul3A_388 : i32
        %shift_right_arithmetic3A_390 = arith.constant 12 : i32
        %shift_right_arithmetic3A_391 = vector.broadcast %shift_right_arithmetic3A_390 : i32 to vector<16xi32>
        %shift_right_arithmetic3A_392 = arith.shrsi %get3A_386, %shift_right_arithmetic3A_391 : vector<16xi32>
        %shift_left3A_393 = arith.constant 7 : i32
        %shift_left3A_394 = vector.broadcast %shift_left3A_393 : i32 to vector<16xi32>
        %shift_left3A_395 = arith.shli %shift_right_arithmetic3A_392, %shift_left3A_394 : vector<16xi32>
        %add3A_396 = vector.broadcast %add3A_389 : i32 to vector<16xi32>
        %add3A_397 = arith.addi %add3A_396, %shift_left3A_395 : vector<16xi32>
        %shift_right_arithmetic3A_398 = arith.constant 2 : i32
        %shift_right_arithmetic3A_399 = vector.broadcast %shift_right_arithmetic3A_398 : i32 to vector<16xi32>
        %shift_right_arithmetic3A_400 = arith.shrsi %get3A_386, %shift_right_arithmetic3A_399 : vector<16xi32>
        %and3A_401 = arith.constant 127 : i32
        %and3A_402 = vector.broadcast %and3A_401 : i32 to vector<16xi32>
        %and3A_403 = arith.andi %shift_right_arithmetic3A_400, %and3A_402 : vector<16xi32>
        %add3A_404 = arith.addi %add3A_397, %and3A_403 : vector<16xi32>
        %and3A_405 = arith.constant 3 : i32
        %and3A_406 = vector.broadcast %and3A_405 : i32 to vector<16xi32>
        %and3A_407 = arith.andi %get3A_386, %and3A_406 : vector<16xi32>
        %shift_left3A_408 = arith.constant 3 : i32
        %shift_left3A_409 = vector.broadcast %shift_left3A_408 : i32 to vector<16xi32>
        %shift_left3A_410 = arith.shli %and3A_407, %shift_left3A_409 : vector<16xi32>
        %shift_right_arithmetic3A_411 = arith.constant 9 : i32
        %shift_right_arithmetic3A_412 = vector.broadcast %shift_right_arithmetic3A_411 : i32 to vector<16xi32>
        %shift_right_arithmetic3A_413 = arith.shrsi %get3A_386, %shift_right_arithmetic3A_412 : vector<16xi32>
        %and3A_414 = arith.constant 7 : i32
        %and3A_415 = vector.broadcast %and3A_414 : i32 to vector<16xi32>
        %and3A_416 = arith.andi %shift_right_arithmetic3A_413, %and3A_415 : vector<16xi32>
        %add3A_417 = arith.addi %shift_left3A_410, %and3A_416 : vector<16xi32>
        %shift_left3A_418 = arith.constant 1 : i32
        %shift_left3A_419 = vector.broadcast %shift_left3A_418 : i32 to vector<16xi32>
        %shift_left3A_420 = arith.shli %shift_left3A_419, %add3A_417 : vector<16xi32>
        %while3A_421 = scf.while (%while3A_536 = %broadcast_in_dim3A_5) : (vector<16xi1>) -> vector<16xi1> {
          %reduce_or3A = arith.constant 1.000000e+00 : f32
          %reduce_or3A_537 = arith.constant 0.000000e+00 : f32
          %reduce_or3A_538 = vector.broadcast %reduce_or3A : f32 to vector<16xf32>
          %reduce_or3A_539 = vector.broadcast %reduce_or3A_537 : f32 to vector<16xf32>
          %reduce_or3A_540 = arith.select %while3A_536, %reduce_or3A_538, %reduce_or3A_539 : vector<16xi1>, vector<16xf32>
          %reduce_or3A_541 = arith.constant true
          %reduce_or3A_542 = vector.broadcast %reduce_or3A_541 : i1 to vector<16xi1>
          %reduce_or3A_543 = tpu.scan <max>, %reduce_or3A_540 masked %reduce_or3A_542 : vector<16xf32>, vector<16xi1> -> vector<16xf32>
          %reduce_or3A_544 = vector.extract %reduce_or3A_543[15] : f32 from vector<16xf32>
          %reduce_or3A_545 = arith.constant 0.000000e+00 : f32
          %reduce_or3A_546 = arith.cmpf ogt, %reduce_or3A_544, %reduce_or3A_545 : f32
          scf.condition(%reduce_or3A_546) %while3A_536 : vector<16xi1>
        } do {
        ^bb0(%while3A_536: vector<16xi1>):
          %gather3A = tpu.vector_load_idx %arg5[%add3A_404] : memref<51200xi32, #tpu.memory_space<vmem>>[vector<16xi32>], vector<16xi32>,
          %or3A = arith.ori %gather3A, %shift_left3A_420 : vector<16xi32>
          tpu.vector_store_idx %arg5[%add3A_404], %or3A masked %while3A_536 : memref<51200xi32, #tpu.memory_space<vmem>>[vector<16xi32>], vector<16xi32>, vector<16xi1>
          %gather3A_537 = tpu.vector_load_idx %arg5[%add3A_404] : memref<51200xi32, #tpu.memory_space<vmem>>[vector<16xi32>], vector<16xi32>,
          %and3A_538 = arith.andi %gather3A_537, %shift_left3A_420 : vector<16xi32>
          %ne3A = arith.cmpi ne, %and3A_538, %shift_left3A_420 : vector<16xi32>
          %and3A_539 = arith.andi %while3A_536, %ne3A : vector<16xi1>
          scf.yield %and3A_539 : vector<16xi1>
        }
        %get3A_422 = arith.index_cast %add3A_46 : i32 to index
        %get3A_423 = arith.constant 160 : index
        %get3A_424 = tpu.vector_load %arg4[%get3A_422, %get3A_423] {strides = array<i32>} : memref<32x208xi32, #tpu.memory_space<vmem>>, vector<16xi32>,
        %mul3A_425 = arith.constant 3200 : i32
        %mul3A_426 = arith.muli %scan3A_43, %mul3A_425 : i32
        %add3A_427 = arith.addi %mul3A_26, %mul3A_426 : i32
        %shift_right_arithmetic3A_428 = arith.constant 12 : i32
        %shift_right_arithmetic3A_429 = vector.broadcast %shift_right_arithmetic3A_428 : i32 to vector<16xi32>
        %shift_right_arithmetic3A_430 = arith.shrsi %get3A_424, %shift_right_arithmetic3A_429 : vector<16xi32>
        %shift_left3A_431 = arith.constant 7 : i32
        %shift_left3A_432 = vector.broadcast %shift_left3A_431 : i32 to vector<16xi32>
        %shift_left3A_433 = arith.shli %shift_right_arithmetic3A_430, %shift_left3A_432 : vector<16xi32>
        %add3A_434 = vector.broadcast %add3A_427 : i32 to vector<16xi32>
        %add3A_435 = arith.addi %add3A_434, %shift_left3A_433 : vector<16xi32>
        %shift_right_arithmetic3A_436 = arith.constant 2 : i32
        %shift_right_arithmetic3A_437 = vector.broadcast %shift_right_arithmetic3A_436 : i32 to vector<16xi32>
        %shift_right_arithmetic3A_438 = arith.shrsi %get3A_424, %shift_right_arithmetic3A_437 : vector<16xi32>
        %and3A_439 = arith.constant 127 : i32
        %and3A_440 = vector.broadcast %and3A_439 : i32 to vector<16xi32>
        %and3A_441 = arith.andi %shift_right_arithmetic3A_438, %and3A_440 : vector<16xi32>
        %add3A_442 = arith.addi %add3A_435, %and3A_441 : vector<16xi32>
        %and3A_443 = arith.constant 3 : i32
        %and3A_444 = vector.broadcast %and3A_443 : i32 to vector<16xi32>
        %and3A_445 = arith.andi %get3A_424, %and3A_444 : vector<16xi32>
        %shift_left3A_446 = arith.constant 3 : i32
        %shift_left3A_447 = vector.broadcast %shift_left3A_446 : i32 to vector<16xi32>
        %shift_left3A_448 = arith.shli %and3A_445, %shift_left3A_447 : vector<16xi32>
        %shift_right_arithmetic3A_449 = arith.constant 9 : i32
        %shift_right_arithmetic3A_450 = vector.broadcast %shift_right_arithmetic3A_449 : i32 to vector<16xi32>
        %shift_right_arithmetic3A_451 = arith.shrsi %get3A_424, %shift_right_arithmetic3A_450 : vector<16xi32>
        %and3A_452 = arith.constant 7 : i32
        %and3A_453 = vector.broadcast %and3A_452 : i32 to vector<16xi32>
        %and3A_454 = arith.andi %shift_right_arithmetic3A_451, %and3A_453 : vector<16xi32>
        %add3A_455 = arith.addi %shift_left3A_448, %and3A_454 : vector<16xi32>
        %shift_left3A_456 = arith.constant 1 : i32
        %shift_left3A_457 = vector.broadcast %shift_left3A_456 : i32 to vector<16xi32>
        %shift_left3A_458 = arith.shli %shift_left3A_457, %add3A_455 : vector<16xi32>
        %while3A_459 = scf.while (%while3A_536 = %broadcast_in_dim3A_5) : (vector<16xi1>) -> vector<16xi1> {
          %reduce_or3A = arith.constant 1.000000e+00 : f32
          %reduce_or3A_537 = arith.constant 0.000000e+00 : f32
          %reduce_or3A_538 = vector.broadcast %reduce_or3A : f32 to vector<16xf32>
          %reduce_or3A_539 = vector.broadcast %reduce_or3A_537 : f32 to vector<16xf32>
          %reduce_or3A_540 = arith.select %while3A_536, %reduce_or3A_538, %reduce_or3A_539 : vector<16xi1>, vector<16xf32>
          %reduce_or3A_541 = arith.constant true
          %reduce_or3A_542 = vector.broadcast %reduce_or3A_541 : i1 to vector<16xi1>
          %reduce_or3A_543 = tpu.scan <max>, %reduce_or3A_540 masked %reduce_or3A_542 : vector<16xf32>, vector<16xi1> -> vector<16xf32>
          %reduce_or3A_544 = vector.extract %reduce_or3A_543[15] : f32 from vector<16xf32>
          %reduce_or3A_545 = arith.constant 0.000000e+00 : f32
          %reduce_or3A_546 = arith.cmpf ogt, %reduce_or3A_544, %reduce_or3A_545 : f32
          scf.condition(%reduce_or3A_546) %while3A_536 : vector<16xi1>
        } do {
        ^bb0(%while3A_536: vector<16xi1>):
          %gather3A = tpu.vector_load_idx %arg5[%add3A_442] : memref<51200xi32, #tpu.memory_space<vmem>>[vector<16xi32>], vector<16xi32>,
          %or3A = arith.ori %gather3A, %shift_left3A_458 : vector<16xi32>
          tpu.vector_store_idx %arg5[%add3A_442], %or3A masked %while3A_536 : memref<51200xi32, #tpu.memory_space<vmem>>[vector<16xi32>], vector<16xi32>, vector<16xi1>
          %gather3A_537 = tpu.vector_load_idx %arg5[%add3A_442] : memref<51200xi32, #tpu.memory_space<vmem>>[vector<16xi32>], vector<16xi32>,
          %and3A_538 = arith.andi %gather3A_537, %shift_left3A_458 : vector<16xi32>
          %ne3A = arith.cmpi ne, %and3A_538, %shift_left3A_458 : vector<16xi32>
          %and3A_539 = arith.andi %while3A_536, %ne3A : vector<16xi1>
          scf.yield %and3A_539 : vector<16xi1>
        }
        %get3A_460 = arith.index_cast %add3A_46 : i32 to index
        %get3A_461 = arith.constant 176 : index
        %get3A_462 = tpu.vector_load %arg4[%get3A_460, %get3A_461] {strides = array<i32>} : memref<32x208xi32, #tpu.memory_space<vmem>>, vector<16xi32>,
        %mul3A_463 = arith.constant 3200 : i32
        %mul3A_464 = arith.muli %scan3A_43, %mul3A_463 : i32
        %add3A_465 = arith.addi %mul3A_26, %mul3A_464 : i32
        %shift_right_arithmetic3A_466 = arith.constant 12 : i32
        %shift_right_arithmetic3A_467 = vector.broadcast %shift_right_arithmetic3A_466 : i32 to vector<16xi32>
        %shift_right_arithmetic3A_468 = arith.shrsi %get3A_462, %shift_right_arithmetic3A_467 : vector<16xi32>
        %shift_left3A_469 = arith.constant 7 : i32
        %shift_left3A_470 = vector.broadcast %shift_left3A_469 : i32 to vector<16xi32>
        %shift_left3A_471 = arith.shli %shift_right_arithmetic3A_468, %shift_left3A_470 : vector<16xi32>
        %add3A_472 = vector.broadcast %add3A_465 : i32 to vector<16xi32>
        %add3A_473 = arith.addi %add3A_472, %shift_left3A_471 : vector<16xi32>
        %shift_right_arithmetic3A_474 = arith.constant 2 : i32
        %shift_right_arithmetic3A_475 = vector.broadcast %shift_right_arithmetic3A_474 : i32 to vector<16xi32>
        %shift_right_arithmetic3A_476 = arith.shrsi %get3A_462, %shift_right_arithmetic3A_475 : vector<16xi32>
        %and3A_477 = arith.constant 127 : i32
        %and3A_478 = vector.broadcast %and3A_477 : i32 to vector<16xi32>
        %and3A_479 = arith.andi %shift_right_arithmetic3A_476, %and3A_478 : vector<16xi32>
        %add3A_480 = arith.addi %add3A_473, %and3A_479 : vector<16xi32>
        %and3A_481 = arith.constant 3 : i32
        %and3A_482 = vector.broadcast %and3A_481 : i32 to vector<16xi32>
        %and3A_483 = arith.andi %get3A_462, %and3A_482 : vector<16xi32>
        %shift_left3A_484 = arith.constant 3 : i32
        %shift_left3A_485 = vector.broadcast %shift_left3A_484 : i32 to vector<16xi32>
        %shift_left3A_486 = arith.shli %and3A_483, %shift_left3A_485 : vector<16xi32>
        %shift_right_arithmetic3A_487 = arith.constant 9 : i32
        %shift_right_arithmetic3A_488 = vector.broadcast %shift_right_arithmetic3A_487 : i32 to vector<16xi32>
        %shift_right_arithmetic3A_489 = arith.shrsi %get3A_462, %shift_right_arithmetic3A_488 : vector<16xi32>
        %and3A_490 = arith.constant 7 : i32
        %and3A_491 = vector.broadcast %and3A_490 : i32 to vector<16xi32>
        %and3A_492 = arith.andi %shift_right_arithmetic3A_489, %and3A_491 : vector<16xi32>
        %add3A_493 = arith.addi %shift_left3A_486, %and3A_492 : vector<16xi32>
        %shift_left3A_494 = arith.constant 1 : i32
        %shift_left3A_495 = vector.broadcast %shift_left3A_494 : i32 to vector<16xi32>
        %shift_left3A_496 = arith.shli %shift_left3A_495, %add3A_493 : vector<16xi32>
        %while3A_497 = scf.while (%while3A_536 = %broadcast_in_dim3A_5) : (vector<16xi1>) -> vector<16xi1> {
          %reduce_or3A = arith.constant 1.000000e+00 : f32
          %reduce_or3A_537 = arith.constant 0.000000e+00 : f32
          %reduce_or3A_538 = vector.broadcast %reduce_or3A : f32 to vector<16xf32>
          %reduce_or3A_539 = vector.broadcast %reduce_or3A_537 : f32 to vector<16xf32>
          %reduce_or3A_540 = arith.select %while3A_536, %reduce_or3A_538, %reduce_or3A_539 : vector<16xi1>, vector<16xf32>
          %reduce_or3A_541 = arith.constant true
          %reduce_or3A_542 = vector.broadcast %reduce_or3A_541 : i1 to vector<16xi1>
          %reduce_or3A_543 = tpu.scan <max>, %reduce_or3A_540 masked %reduce_or3A_542 : vector<16xf32>, vector<16xi1> -> vector<16xf32>
          %reduce_or3A_544 = vector.extract %reduce_or3A_543[15] : f32 from vector<16xf32>
          %reduce_or3A_545 = arith.constant 0.000000e+00 : f32
          %reduce_or3A_546 = arith.cmpf ogt, %reduce_or3A_544, %reduce_or3A_545 : f32
          scf.condition(%reduce_or3A_546) %while3A_536 : vector<16xi1>
        } do {
        ^bb0(%while3A_536: vector<16xi1>):
          %gather3A = tpu.vector_load_idx %arg5[%add3A_480] : memref<51200xi32, #tpu.memory_space<vmem>>[vector<16xi32>], vector<16xi32>,
          %or3A = arith.ori %gather3A, %shift_left3A_496 : vector<16xi32>
          tpu.vector_store_idx %arg5[%add3A_480], %or3A masked %while3A_536 : memref<51200xi32, #tpu.memory_space<vmem>>[vector<16xi32>], vector<16xi32>, vector<16xi1>
          %gather3A_537 = tpu.vector_load_idx %arg5[%add3A_480] : memref<51200xi32, #tpu.memory_space<vmem>>[vector<16xi32>], vector<16xi32>,
          %and3A_538 = arith.andi %gather3A_537, %shift_left3A_496 : vector<16xi32>
          %ne3A = arith.cmpi ne, %and3A_538, %shift_left3A_496 : vector<16xi32>
          %and3A_539 = arith.andi %while3A_536, %ne3A : vector<16xi1>
          scf.yield %and3A_539 : vector<16xi1>
        }
        %get3A_498 = arith.index_cast %add3A_46 : i32 to index
        %get3A_499 = arith.constant 192 : index
        %get3A_500 = tpu.vector_load %arg4[%get3A_498, %get3A_499] {strides = array<i32>} : memref<32x208xi32, #tpu.memory_space<vmem>>, vector<16xi32>,
        %mul3A_501 = arith.constant 3200 : i32
        %mul3A_502 = arith.muli %scan3A_43, %mul3A_501 : i32
        %add3A_503 = arith.addi %mul3A_26, %mul3A_502 : i32
        %shift_right_arithmetic3A_504 = arith.constant 12 : i32
        %shift_right_arithmetic3A_505 = vector.broadcast %shift_right_arithmetic3A_504 : i32 to vector<16xi32>
        %shift_right_arithmetic3A_506 = arith.shrsi %get3A_500, %shift_right_arithmetic3A_505 : vector<16xi32>
        %shift_left3A_507 = arith.constant 7 : i32
        %shift_left3A_508 = vector.broadcast %shift_left3A_507 : i32 to vector<16xi32>
        %shift_left3A_509 = arith.shli %shift_right_arithmetic3A_506, %shift_left3A_508 : vector<16xi32>
        %add3A_510 = vector.broadcast %add3A_503 : i32 to vector<16xi32>
        %add3A_511 = arith.addi %add3A_510, %shift_left3A_509 : vector<16xi32>
        %shift_right_arithmetic3A_512 = arith.constant 2 : i32
        %shift_right_arithmetic3A_513 = vector.broadcast %shift_right_arithmetic3A_512 : i32 to vector<16xi32>
        %shift_right_arithmetic3A_514 = arith.shrsi %get3A_500, %shift_right_arithmetic3A_513 : vector<16xi32>
        %and3A_515 = arith.constant 127 : i32
        %and3A_516 = vector.broadcast %and3A_515 : i32 to vector<16xi32>
        %and3A_517 = arith.andi %shift_right_arithmetic3A_514, %and3A_516 : vector<16xi32>
        %add3A_518 = arith.addi %add3A_511, %and3A_517 : vector<16xi32>
        %and3A_519 = arith.constant 3 : i32
        %and3A_520 = vector.broadcast %and3A_519 : i32 to vector<16xi32>
        %and3A_521 = arith.andi %get3A_500, %and3A_520 : vector<16xi32>
        %shift_left3A_522 = arith.constant 3 : i32
        %shift_left3A_523 = vector.broadcast %shift_left3A_522 : i32 to vector<16xi32>
        %shift_left3A_524 = arith.shli %and3A_521, %shift_left3A_523 : vector<16xi32>
        %shift_right_arithmetic3A_525 = arith.constant 9 : i32
        %shift_right_arithmetic3A_526 = vector.broadcast %shift_right_arithmetic3A_525 : i32 to vector<16xi32>
        %shift_right_arithmetic3A_527 = arith.shrsi %get3A_500, %shift_right_arithmetic3A_526 : vector<16xi32>
        %and3A_528 = arith.constant 7 : i32
        %and3A_529 = vector.broadcast %and3A_528 : i32 to vector<16xi32>
        %and3A_530 = arith.andi %shift_right_arithmetic3A_527, %and3A_529 : vector<16xi32>
        %add3A_531 = arith.addi %shift_left3A_524, %and3A_530 : vector<16xi32>
        %shift_left3A_532 = arith.constant 1 : i32
        %shift_left3A_533 = vector.broadcast %shift_left3A_532 : i32 to vector<16xi32>
        %shift_left3A_534 = arith.shli %shift_left3A_533, %add3A_531 : vector<16xi32>
        %while3A_535 = scf.while (%while3A_536 = %broadcast_in_dim3A_5) : (vector<16xi1>) -> vector<16xi1> {
          %reduce_or3A = arith.constant 1.000000e+00 : f32
          %reduce_or3A_537 = arith.constant 0.000000e+00 : f32
          %reduce_or3A_538 = vector.broadcast %reduce_or3A : f32 to vector<16xf32>
          %reduce_or3A_539 = vector.broadcast %reduce_or3A_537 : f32 to vector<16xf32>
          %reduce_or3A_540 = arith.select %while3A_536, %reduce_or3A_538, %reduce_or3A_539 : vector<16xi1>, vector<16xf32>
          %reduce_or3A_541 = arith.constant true
          %reduce_or3A_542 = vector.broadcast %reduce_or3A_541 : i1 to vector<16xi1>
          %reduce_or3A_543 = tpu.scan <max>, %reduce_or3A_540 masked %reduce_or3A_542 : vector<16xf32>, vector<16xi1> -> vector<16xf32>
          %reduce_or3A_544 = vector.extract %reduce_or3A_543[15] : f32 from vector<16xf32>
          %reduce_or3A_545 = arith.constant 0.000000e+00 : f32
          %reduce_or3A_546 = arith.cmpf ogt, %reduce_or3A_544, %reduce_or3A_545 : f32
          scf.condition(%reduce_or3A_546) %while3A_536 : vector<16xi1>
        } do {
        ^bb0(%while3A_536: vector<16xi1>):
          %gather3A = tpu.vector_load_idx %arg5[%add3A_518] : memref<51200xi32, #tpu.memory_space<vmem>>[vector<16xi32>], vector<16xi32>,
          %or3A = arith.ori %gather3A, %shift_left3A_534 : vector<16xi32>
          tpu.vector_store_idx %arg5[%add3A_518], %or3A masked %while3A_536 : memref<51200xi32, #tpu.memory_space<vmem>>[vector<16xi32>], vector<16xi32>, vector<16xi1>
          %gather3A_537 = tpu.vector_load_idx %arg5[%add3A_518] : memref<51200xi32, #tpu.memory_space<vmem>>[vector<16xi32>], vector<16xi32>,
          %and3A_538 = arith.andi %gather3A_537, %shift_left3A_534 : vector<16xi32>
          %ne3A = arith.cmpi ne, %and3A_538, %shift_left3A_534 : vector<16xi32>
          %and3A_539 = arith.andi %while3A_536, %ne3A : vector<16xi1>
          scf.yield %and3A_539 : vector<16xi1>
        }
      }
      %scan3A_34 = arith.constant 8 : i32
      %mul3A_35 = arith.constant 3200 : i32
      %mul3A_36 = arith.muli %mul3A_2, %mul3A_35 : i32
      %mul3A_37 = arith.constant 25600 : i32
      %mul3A_38 = arith.muli %scan3A_23, %mul3A_37 : i32
      %add3A_39 = arith.addi %mul3A_36, %mul3A_38 : i32
      %dma_start3A = tpu.memref_slice %arg5[%mul3A_26] : memref<51200xi32, #tpu.memory_space<vmem>> -> memref<25600xi32, #tpu.memory_space<vmem>>
      %dma_start3A_40 = tpu.memref_slice %arg3[%add3A_39] : memref<3276800xi32, #tpu.memory_space<hbm>> -> memref<25600xi32, #tpu.memory_space<hbm>>
      %dma_start3A_41 = tpu.memref_slice %arg3[%add3A_39] : memref<3276800xi32, #tpu.memory_space<hbm>> -> memref<25600xi32, #tpu.memory_space<hbm>>
      %dma_start3A_42 = tpu.memref_slice %arg5[%mul3A_26] : memref<51200xi32, #tpu.memory_space<vmem>> -> memref<25600xi32, #tpu.memory_space<vmem>>
      tpu.enqueue_dma source(%dma_start3A_42 : memref<25600xi32, #tpu.memory_space<vmem>>) target(%dma_start3A_41 : memref<25600xi32, #tpu.memory_space<hbm>>) target_semaphore(%arg6 : memref<!tpu.dma_semaphore, #tpu.memory_space<semaphore_mem>>)
    }
    %scan3A_16 = arith.constant 4 : i32
    %scan3A_17 = arith.constant 0 : i32
    %scan3A_18 = arith.constant 0 : i32
    %scan3A_19 = arith.constant 2 : i32
    %scan3A_20 = arith.addi %scan3A_18, %scan3A_19 : i32
    %scan3A_21 = arith.constant 1 : i32
    scf.for %scan3A_23 = %scan3A_18 to %scan3A_20 step %scan3A_21  : i32 {
      %rem3A = arith.constant 2 : i32
      %rem3A_24 = arith.remsi %scan3A_23, %rem3A : i32
      %mul3A_25 = arith.constant 25600 : i32
      %mul3A_26 = arith.muli %rem3A_24, %mul3A_25 : i32
      %mul3A_27 = arith.constant 3200 : i32
      %mul3A_28 = arith.muli %mul3A_2, %mul3A_27 : i32
      %mul3A_29 = arith.constant 25600 : i32
      %mul3A_30 = arith.muli %scan3A_23, %mul3A_29 : i32
      %add3A_31 = arith.addi %mul3A_28, %mul3A_30 : i32
      %dma_wait3A = tpu.memref_slice %arg5[%mul3A_26] : memref<51200xi32, #tpu.memory_space<vmem>> -> memref<25600xi32, #tpu.memory_space<vmem>>
      %dma_wait3A_32 = tpu.memref_slice %arg3[%add3A_31] : memref<3276800xi32, #tpu.memory_space<hbm>> -> memref<25600xi32, #tpu.memory_space<hbm>>
      %dma_wait3A_33 = tpu.memref_slice %arg3[%add3A_31] : memref<3276800xi32, #tpu.memory_space<hbm>> -> memref<25600xi32, #tpu.memory_space<hbm>>
      %dma_wait3A_34 = tpu.memref_slice %arg5[%mul3A_26] : memref<51200xi32, #tpu.memory_space<vmem>> -> memref<25600xi32, #tpu.memory_space<vmem>>
      tpu.wait_dma2 semaphore(%arg6 : memref<!tpu.dma_semaphore, #tpu.memory_space<semaphore_mem>>) src(%dma_wait3A_34 : memref<25600xi32, #tpu.memory_space<vmem>>) dst(%dma_wait3A_33 : memref<25600xi32, #tpu.memory_space<hbm>>)
    }
    %scan3A_22 = arith.constant 2 : i32
    return
  }
}

module attributes {stable_mosaic.version = 14 : i64} {
  func.func @_tc_body(%arg0: i32, %arg1: memref<128x1024xi32, #tpu.memory_space<vmem>>, %arg2: memref<4096x1024xi8, #tpu.memory_space<vmem>>) attributes {dimension_semantics = [#tpu.dimension_semantics<arbitrary>], iteration_bounds = array<i64: 25>, scalar_prefetch = 0 : i64, scratch_operands = 0 : i64, tpu.core_type = #tpu.core_type<tc>, window_params = [{transform_indices = @transform_0, window_bounds = array<i64: 128, 1024>}, {transform_indices = @transform_1, window_bounds = array<i64: 4096, 1024>}]} {
    %get3A = arith.constant 0 : index
    %get3A_0 = arith.constant 0 : index
    %get3A_1 = vector.load %arg1[%get3A, %get3A_0] : memref<128x1024xi32, #tpu.memory_space<vmem>>, vector<128x1024xi32>
    %shift_right_arithmetic3A = arith.constant 0 : i32
    %shift_right_arithmetic3A_2 = vector.broadcast %shift_right_arithmetic3A : i32 to vector<128x1024xi32>
    %shift_right_arithmetic3A_3 = arith.shrsi %get3A_1, %shift_right_arithmetic3A_2 : vector<128x1024xi32>
    %and3A = arith.constant 16843009 : i32
    %and3A_4 = vector.broadcast %and3A : i32 to vector<128x1024xi32>
    %and3A_5 = arith.andi %shift_right_arithmetic3A_3, %and3A_4 : vector<128x1024xi32>
    %swap3A = tpu.memref_bitcast %arg2 : memref<4096x1024xi8, #tpu.memory_space<vmem>> -> memref<1024x1024xi32, #tpu.memory_space<vmem>>
    %swap3A_6 = arith.constant 0 : index
    %swap3A_7 = arith.constant 0 : index
    %swap3A_8 = vector.load %swap3A[%swap3A_6, %swap3A_7] : memref<1024x1024xi32, #tpu.memory_space<vmem>>, vector<128x1024xi32>
    tpu.vector_store %swap3A[%swap3A_6, %swap3A_7], %and3A_5 {strides = array<i32>} : memref<1024x1024xi32, #tpu.memory_space<vmem>>, vector<128x1024xi32>,
    %shift_right_arithmetic3A_9 = arith.constant 1 : i32
    %shift_right_arithmetic3A_10 = vector.broadcast %shift_right_arithmetic3A_9 : i32 to vector<128x1024xi32>
    %shift_right_arithmetic3A_11 = arith.shrsi %get3A_1, %shift_right_arithmetic3A_10 : vector<128x1024xi32>
    %and3A_12 = arith.constant 16843009 : i32
    %and3A_13 = vector.broadcast %and3A_12 : i32 to vector<128x1024xi32>
    %and3A_14 = arith.andi %shift_right_arithmetic3A_11, %and3A_13 : vector<128x1024xi32>
    %swap3A_15 = tpu.memref_bitcast %arg2 : memref<4096x1024xi8, #tpu.memory_space<vmem>> -> memref<1024x1024xi32, #tpu.memory_space<vmem>>
    %swap3A_16 = arith.constant 128 : index
    %swap3A_17 = arith.constant 0 : index
    %swap3A_18 = vector.load %swap3A_15[%swap3A_16, %swap3A_17] : memref<1024x1024xi32, #tpu.memory_space<vmem>>, vector<128x1024xi32>
    tpu.vector_store %swap3A_15[%swap3A_16, %swap3A_17], %and3A_14 {strides = array<i32>} : memref<1024x1024xi32, #tpu.memory_space<vmem>>, vector<128x1024xi32>,
    %shift_right_arithmetic3A_19 = arith.constant 2 : i32
    %shift_right_arithmetic3A_20 = vector.broadcast %shift_right_arithmetic3A_19 : i32 to vector<128x1024xi32>
    %shift_right_arithmetic3A_21 = arith.shrsi %get3A_1, %shift_right_arithmetic3A_20 : vector<128x1024xi32>
    %and3A_22 = arith.constant 16843009 : i32
    %and3A_23 = vector.broadcast %and3A_22 : i32 to vector<128x1024xi32>
    %and3A_24 = arith.andi %shift_right_arithmetic3A_21, %and3A_23 : vector<128x1024xi32>
    %swap3A_25 = tpu.memref_bitcast %arg2 : memref<4096x1024xi8, #tpu.memory_space<vmem>> -> memref<1024x1024xi32, #tpu.memory_space<vmem>>
    %swap3A_26 = arith.constant 256 : index
    %swap3A_27 = arith.constant 0 : index
    %swap3A_28 = vector.load %swap3A_25[%swap3A_26, %swap3A_27] : memref<1024x1024xi32, #tpu.memory_space<vmem>>, vector<128x1024xi32>
    tpu.vector_store %swap3A_25[%swap3A_26, %swap3A_27], %and3A_24 {strides = array<i32>} : memref<1024x1024xi32, #tpu.memory_space<vmem>>, vector<128x1024xi32>,
    %shift_right_arithmetic3A_29 = arith.constant 3 : i32
    %shift_right_arithmetic3A_30 = vector.broadcast %shift_right_arithmetic3A_29 : i32 to vector<128x1024xi32>
    %shift_right_arithmetic3A_31 = arith.shrsi %get3A_1, %shift_right_arithmetic3A_30 : vector<128x1024xi32>
    %and3A_32 = arith.constant 16843009 : i32
    %and3A_33 = vector.broadcast %and3A_32 : i32 to vector<128x1024xi32>
    %and3A_34 = arith.andi %shift_right_arithmetic3A_31, %and3A_33 : vector<128x1024xi32>
    %swap3A_35 = tpu.memref_bitcast %arg2 : memref<4096x1024xi8, #tpu.memory_space<vmem>> -> memref<1024x1024xi32, #tpu.memory_space<vmem>>
    %swap3A_36 = arith.constant 384 : index
    %swap3A_37 = arith.constant 0 : index
    %swap3A_38 = vector.load %swap3A_35[%swap3A_36, %swap3A_37] : memref<1024x1024xi32, #tpu.memory_space<vmem>>, vector<128x1024xi32>
    tpu.vector_store %swap3A_35[%swap3A_36, %swap3A_37], %and3A_34 {strides = array<i32>} : memref<1024x1024xi32, #tpu.memory_space<vmem>>, vector<128x1024xi32>,
    %shift_right_arithmetic3A_39 = arith.constant 4 : i32
    %shift_right_arithmetic3A_40 = vector.broadcast %shift_right_arithmetic3A_39 : i32 to vector<128x1024xi32>
    %shift_right_arithmetic3A_41 = arith.shrsi %get3A_1, %shift_right_arithmetic3A_40 : vector<128x1024xi32>
    %and3A_42 = arith.constant 16843009 : i32
    %and3A_43 = vector.broadcast %and3A_42 : i32 to vector<128x1024xi32>
    %and3A_44 = arith.andi %shift_right_arithmetic3A_41, %and3A_43 : vector<128x1024xi32>
    %swap3A_45 = tpu.memref_bitcast %arg2 : memref<4096x1024xi8, #tpu.memory_space<vmem>> -> memref<1024x1024xi32, #tpu.memory_space<vmem>>
    %swap3A_46 = arith.constant 512 : index
    %swap3A_47 = arith.constant 0 : index
    %swap3A_48 = vector.load %swap3A_45[%swap3A_46, %swap3A_47] : memref<1024x1024xi32, #tpu.memory_space<vmem>>, vector<128x1024xi32>
    tpu.vector_store %swap3A_45[%swap3A_46, %swap3A_47], %and3A_44 {strides = array<i32>} : memref<1024x1024xi32, #tpu.memory_space<vmem>>, vector<128x1024xi32>,
    %shift_right_arithmetic3A_49 = arith.constant 5 : i32
    %shift_right_arithmetic3A_50 = vector.broadcast %shift_right_arithmetic3A_49 : i32 to vector<128x1024xi32>
    %shift_right_arithmetic3A_51 = arith.shrsi %get3A_1, %shift_right_arithmetic3A_50 : vector<128x1024xi32>
    %and3A_52 = arith.constant 16843009 : i32
    %and3A_53 = vector.broadcast %and3A_52 : i32 to vector<128x1024xi32>
    %and3A_54 = arith.andi %shift_right_arithmetic3A_51, %and3A_53 : vector<128x1024xi32>
    %swap3A_55 = tpu.memref_bitcast %arg2 : memref<4096x1024xi8, #tpu.memory_space<vmem>> -> memref<1024x1024xi32, #tpu.memory_space<vmem>>
    %swap3A_56 = arith.constant 640 : index
    %swap3A_57 = arith.constant 0 : index
    %swap3A_58 = vector.load %swap3A_55[%swap3A_56, %swap3A_57] : memref<1024x1024xi32, #tpu.memory_space<vmem>>, vector<128x1024xi32>
    tpu.vector_store %swap3A_55[%swap3A_56, %swap3A_57], %and3A_54 {strides = array<i32>} : memref<1024x1024xi32, #tpu.memory_space<vmem>>, vector<128x1024xi32>,
    %shift_right_arithmetic3A_59 = arith.constant 6 : i32
    %shift_right_arithmetic3A_60 = vector.broadcast %shift_right_arithmetic3A_59 : i32 to vector<128x1024xi32>
    %shift_right_arithmetic3A_61 = arith.shrsi %get3A_1, %shift_right_arithmetic3A_60 : vector<128x1024xi32>
    %and3A_62 = arith.constant 16843009 : i32
    %and3A_63 = vector.broadcast %and3A_62 : i32 to vector<128x1024xi32>
    %and3A_64 = arith.andi %shift_right_arithmetic3A_61, %and3A_63 : vector<128x1024xi32>
    %swap3A_65 = tpu.memref_bitcast %arg2 : memref<4096x1024xi8, #tpu.memory_space<vmem>> -> memref<1024x1024xi32, #tpu.memory_space<vmem>>
    %swap3A_66 = arith.constant 768 : index
    %swap3A_67 = arith.constant 0 : index
    %swap3A_68 = vector.load %swap3A_65[%swap3A_66, %swap3A_67] : memref<1024x1024xi32, #tpu.memory_space<vmem>>, vector<128x1024xi32>
    tpu.vector_store %swap3A_65[%swap3A_66, %swap3A_67], %and3A_64 {strides = array<i32>} : memref<1024x1024xi32, #tpu.memory_space<vmem>>, vector<128x1024xi32>,
    %shift_right_arithmetic3A_69 = arith.constant 7 : i32
    %shift_right_arithmetic3A_70 = vector.broadcast %shift_right_arithmetic3A_69 : i32 to vector<128x1024xi32>
    %shift_right_arithmetic3A_71 = arith.shrsi %get3A_1, %shift_right_arithmetic3A_70 : vector<128x1024xi32>
    %and3A_72 = arith.constant 16843009 : i32
    %and3A_73 = vector.broadcast %and3A_72 : i32 to vector<128x1024xi32>
    %and3A_74 = arith.andi %shift_right_arithmetic3A_71, %and3A_73 : vector<128x1024xi32>
    %swap3A_75 = tpu.memref_bitcast %arg2 : memref<4096x1024xi8, #tpu.memory_space<vmem>> -> memref<1024x1024xi32, #tpu.memory_space<vmem>>
    %swap3A_76 = arith.constant 896 : index
    %swap3A_77 = arith.constant 0 : index
    %swap3A_78 = vector.load %swap3A_75[%swap3A_76, %swap3A_77] : memref<1024x1024xi32, #tpu.memory_space<vmem>>, vector<128x1024xi32>
    tpu.vector_store %swap3A_75[%swap3A_76, %swap3A_77], %and3A_74 {strides = array<i32>} : memref<1024x1024xi32, #tpu.memory_space<vmem>>, vector<128x1024xi32>,
    return
  }
  func.func @transform_0(%arg0: i32) -> (i32, i32) {
    %c0_i32 = arith.constant 0 : i32
    %c0_i32_0 = arith.constant 0 : i32
    return %arg0, %c0_i32 : i32, i32
  }
  func.func @transform_1(%arg0: i32) -> (i32, i32) {
    %c0_i32 = arith.constant 0 : i32
    %c0_i32_0 = arith.constant 0 : i32
    return %arg0, %c0_i32 : i32, i32
  }
}

</mosaic_0001>

<sc_bundles>
// kernel: kernel.4.cloned.1.call-start
scs
__scs_entry_jumppad:
0x0: {  	(pc) =	sbr.rel $0x88, $3  }
0x1: {  	(tag) =	ssettag $0x0;
	lr =	simm.s32 $0x1  }
0x2: {  	[smem:$0x3FA0] =	sst lr;
	_ =	strace $0xD0000000  }
0x3: {  	_ = 	snop  }
0x4: {  	_ = 	snop  }
0x5: {  	_ = 	snop  }
0x6: {  	_ = 	snop  }
0x7: {  	_ = 	snop  }
__scs_overlays_trampoline_lowered:
0x8: {  	[smem:$0x3FAF] =	sst s0  }
0x9: {  	[smem:$0x3FB0] =	sst s1  }
0xa: {  	[smem:$0x3FB1] =	sst s2  }
0xb: {  	[smem:$0x3FB2] =	sst s3  }
0xc: {  	[smem:$0x3FB3] =	sst s4  }
0xd: {  	[smem:$0x3FB4] =	sst s5  }
0xe: {  	[smem:$0x3FB5] =	sst s6  }
0xf: {  	[smem:$0x3FB6] =	sst s7  }
0x10: {  	[smem:$0x3FB7] =	sst s8  }
0x11: {  	[smem:$0x3FB8] =	sst s9;
	s0 =	simm.s32 @!p0 $0x0  }
0x12: {  	s1 =	sld [smem:$0x3F9E];
	s0 =	simm.s32 @p0 $0x1  }
0x13: {  	[smem:$0x3FB9] =	sst s0;
	s0 =	simm.s32 @!p1 $0x0  }
0x14: {  	s2 =	sld [smem:$0x3F9D];
	s0 =	simm.s32 @p1 $0x1  }
0x15: {  	[smem:$0x3FBA] =	sst s0;
	s0 =	simm.s32 @!p2 $0x0  }
0x16: {  	s3 =	sld [smem:$0x3FDB];
	s0 =	simm.s32 @p2 $0x1  }
0x17: {  	s4 =	simm.s32 $0x1BF5;
	[smem:$0x3FBC] =	sst s0  }
0x18: {  	s0 =	sld [smem:$0x3F9F];
	_ =	swait.ge [sflag:s4], $0x0  }
0x19: {  	s7 =	sld [smem:$0x3FA0]  }
0x1a: {  	s8 =	sadd.s32 $0xFFFFE003, lr  }
0x1b: {  	s9 =	sadd.s32 $0xFFFFFEF7, lr;
	s5 =	simm.s32 $0xFFFFFFFF;
	p2 =	slt.u32 s8, $0xFFFFF086  }
0x1c: {  	p1 =	slt.u32 s9, $0xF7A;
	s5 =	simm.s32 @!p2 $0x0  }
0x1d: {  	s5 =	simm.s32 @p1 $0x1;
	p0 =	seq.s32 s7, s2  }
0x1e: {  	s7 =	smul.u32 @!p0 $0xF7A, s2;
	p2 =	seq.s32 @!p0 s5, $0x0  }
0x1f: {  	s9 =	smul.u32 $0xF7A, s1;
	s8 =	simm.s32 @!p0 $0x1BF5;
	p2 =	por !p2, p0  }
0x20: {  	[sflag:s8] =	ssyncset.s32 @!p0 $0xFFFFF086;
	s6 =	sadd.s32 @!p0 s3, s7;
	s7 =	simm.s32 @!p0 $0x108  }
0x21: {  	s3 =	sadd.s32 s3, s9;
	s6 =	sadd.s32 @!p0 $0x88, s6;
	s7 =	simm.s32 @p2 $0x1082  }
0x22: {  	[simem:s7], [sflag:s8] =	dma.local @!p0 [hbm:s6], $0xF7A  }
0x23: {  	s9 =	sor.u32 $0xD0000000, s2;
	s6 =	simm.s32 $0x108;
	_ =	swait.ge @!p0 [sflag:s8], $0x0  }
0x24: {  	s3 =	sadd.s32 $0x88, s3;
	s6 =	simm.s32 @!p1 $0x1082;
	[sflag:s4] =	ssyncset.s32 $0xFFFFF086  }
0x25: {  	[simem:s6], [sflag:s4] =	dma.local [hbm:s3], $0xF7A  }
0x26: {  	[smem:$0x3FA0] =	sst s1;
	(tag) =	ssettag s2;
	_ =	strace s9  }
0x27: {  	s1 =	sld [smem:$0x3FB0]  }
0x28: {  	s2 =	sld [smem:$0x3FB1]  }
0x29: {  	s4 =	sld [smem:$0x3FB3]  }
0x2a: {  	p0 =	seq.s32 s5, $0x0;
	s5 =	sld [smem:$0x3FB4]  }
0x2b: {  	s6 =	sld [smem:$0x3FB5]  }
0x2c: {  	s7 =	sld [smem:$0x3FB6]  }
0x2d: {  	s3 =	simm.s32 $0x108;
	s8 =	sld [smem:$0x3FB7]  }
0x2e: {  	s3 =	simm.s32 @!p0 $0x1082;
	s9 =	sld [smem:$0x3FB8]  }
0x2f: {  	lr =	sadd.s32 s0, s3;
	s0 =	sld [smem:$0x3FAF]  }
0x30: {  	s3 =	sld [smem:$0x3FB2]  }
0x31: {  	[smem:$0x3FBB] =	sst s10  }
0x32: {  	s10 =	sld [smem:$0x3FB9];
	_ =	sdelay $0x3  }
0x33: {  	p0 =	seq.s32 s10, $0x1;
	s10 =	sld [smem:$0x3FBB];
	_ =	sdelay $0x3  }
0x34: {  	[smem:$0x3FBB] =	sst s10  }
0x35: {  	s10 =	sld [smem:$0x3FBA];
	_ =	sdelay $0x3  }
0x36: {  	p1 =	seq.s32 s10, $0x1;
	s10 =	sld [smem:$0x3FBB];
	_ =	sdelay $0x3  }
0x37: {  	[smem:$0x3FBB] =	sst s10  }
0x38: {  	s10 =	sld [smem:$0x3FBC]  }
0x39: {  	_ = 	snop;
	(pc) =	sbr.ind lr, $3  }
0x3a: {  	_ = 	snop  }
0x3b: {  	_ = 	snop  }
0x3c: {  	p2 =	seq.s32 s10, $0x1;
	s10 =	sld [smem:$0x3FBB]  }
0x3d: {  	_ =	shalt  }
0x3e: {  	_ =	shalt  }
0x3f: {  	_ =	shalt  }
0x40: {  	_ =	shalt  }
0x41: {  	_ =	shalt  }
0x42: {  	_ =	shalt  }
0x43: {  	_ =	shalt  }
0x44: {  	_ =	shalt  }
0x45: {  	_ =	shalt  }
0x46: {  	_ =	shalt  }
0x47: {  	_ =	shalt  }
0x48: {  	_ =	shalt  }
0x49: {  	_ =	shalt  }
0x4a: {  	_ =	shalt  }
0x4b: {  	_ =	shalt  }
0x4c: {  	_ =	shalt  }
0x4d: {  	_ =	shalt  }
0x4e: {  	_ =	shalt  }
0x4f: {  	_ =	shalt  }
0x50: {  	_ =	shalt  }
0x51: {  	_ =	shalt  }
0x52: {  	_ =	shalt  }
0x53: {  	_ =	shalt  }
0x54: {  	_ =	shalt  }
0x55: {  	_ =	shalt  }
0x56: {  	_ =	shalt  }
0x57: {  	_ =	shalt  }
0x58: {  	_ =	shalt  }
0x59: {  	_ =	shalt  }
0x5a: {  	_ =	shalt  }
0x5b: {  	_ =	shalt  }
0x5c: {  	_ =	shalt  }
0x5d: {  	_ =	shalt  }
0x5e: {  	_ =	shalt  }
0x5f: {  	_ =	shalt  }
0x60: {  	_ =	shalt  }
0x61: {  	_ =	shalt  }
0x62: {  	_ =	shalt  }
0x63: {  	_ =	shalt  }
0x64: {  	_ =	shalt  }
0x65: {  	_ =	shalt  }
0x66: {  	_ =	shalt  }
0x67: {  	_ =	shalt  }
0x68: {  	_ =	shalt  }
0x69: {  	_ =	shalt  }
0x6a: {  	_ =	shalt  }
0x6b: {  	_ =	shalt  }
0x6c: {  	_ =	shalt  }
0x6d: {  	_ =	shalt  }
0x6e: {  	_ =	shalt  }
0x6f: {  	_ =	shalt  }
0x70: {  	_ =	shalt  }
0x71: {  	_ =	shalt  }
0x72: {  	_ =	shalt  }
0x73: {  	_ =	shalt  }
0x74: {  	_ =	shalt  }
0x75: {  	_ =	shalt  }
0x76: {  	_ =	shalt  }
0x77: {  	_ =	shalt  }
0x78: {  	_ =	shalt  }
0x79: {  	_ =	shalt  }
0x7a: {  	_ =	shalt  }
0x7b: {  	_ =	shalt  }
0x7c: {  	_ =	shalt  }
0x7d: {  	_ =	shalt  }
0x7e: {  	_ =	shalt  }
0x7f: {  	_ =	shalt  }
0x80: {  	_ =	shalt  }
0x81: {  	_ =	shalt  }
0x82: {  	_ =	shalt  }
0x83: {  	_ =	shalt  }
0x84: {  	_ =	shalt  }
0x85: {  	_ =	shalt  }
0x86: {  	_ =	shalt  }
0x87: {  	_ =	shalt  }
.Lfunc_end0:
.L_simem_size_0:
called_computation_lowered:
.L_overlay_start_0:
0x88: {  	s2 =	sld [smem:$0x3FD9]  }
0x89: {  	s3 =	sld [smem:$0x3FFE];
	_ =	sdelay $0x1  }
0x8a: {  	s1 =	srdreg.scid  }
0x8b: {  	s0 =	sand.u32 $0x1, s1  }
0x8c: {  	s17 =	sshll.u32 s0, $0xA;
	s2 =	sadd.s32 s3, s2  }
0x8d: {  	s2 =	sadd.s32 s2, s17  }
0x8e: {  	[smem:$0x3FC7] =	sst s2  }
0x8f: {  	_ = 	snop  }
0x90: {  	s2 =	sld [smem:$0x3FD0];
	(tm) =	ssettm $0x1  }
0x91: {  	s18 =	sld [smem:$0x3FFB];
	_ =	sdelay $0x3  }
0x92: {  	_ =	strace s18  }
0x93: {  	s3 =	sld [smem:$0x3FFC];
	_ =	sdelay $0x3  }
0x94: {  	_ =	strace s3  }
0x95: {  	s3 =	sld [smem:$0x3FFD];
	_ =	sdelay $0x3  }
0x96: {  	_ =	strace s3  }
0x97: {  	_ =	strace $0x8FFFFFFF  }
0x98: {  	s19 =	sld [smem:$0x3FDB];
	_ =	sdelay $0x1  }
0x99: {  	s4 =	simm.s32 $_scs_section_size  }
0x9a: {  	s5 =	simm.s32 $_size__tile_overlayer_lowered;
	s6 =	simm.s32 $_tile_overlayer_lowered  }
0x9b: {  	s22 =	simm.s32 $0x1BFF;
	s21 =	sshll.u32 s6, $0x1;
	s3 =	sadd.s32 s4, s19  }
0x9c: {  	s7 =	simm.s32 $0x0;
	s20 =	sshll.u32 s5, $0x1;
	s5 =	sadd.s32 s21, s3  }
0x9d: {  	[timem:s7], [sflag:s22] =	dma.local [hbm:s5], s20  }
0x9e: {  	_ =	swait.ge [sflag:s22], s20  }
0x9f: {  	s4 =	ssub.s32 $0x0, s20;
	[sflag:s22] =	ssyncset.done $0x0  }
0xa0: {  	[sflag:s22] =	ssyncadd.s32 s4;
	_ =	sdelay $0x1  }
0xa1: {  	s23 =	simm.s32 $0x1B8B  }
0xa2: {  	_ =	swait.ge [sflag:s23], $0x1  }
0xa3: {  	[sflag:s23] =	ssyncset.done $0x0  }
0xa4: {  	s25 =	simm.s32 $0x1B8E;
	s24 =	sld [smem:$0x3FFE];
	[sflag:s23] =	ssyncadd.s32 $0xFFFFFFFF  }
0xa5: {  	s26 =	simm.s32 $execute0_lowered;
	[smem:$0x3FD2] =	sst s25  }
0xa6: {  	s5 =	sshll.u32 s26, $0x1;
	_ =	strace $0x80000046;
	[dreg:$0x1] =	wrdreg $0xFFFFFFFF  }
0xa7: {  	s28 =	simm.s32 $_size_execute0_lowered;
	s3 =	sadd.s32 s3, s5;
	[dreg:$0x0] =	wrdreg $0x0  }
0xa8: {  	s5 =	sshll.u32 s28, $0x1;
	[dreg:$0x2] =	wrdreg s3  }
0xa9: {  	[dreg:$0x3] =	wrdreg s5  }
0xaa: {  	[dreg:$0x4] =	wrdreg $0xC0  }
0xab: {  	_ =	task [dreg:s7], $0x5FFFF  }
0xac: {  	[dreg:$0x1] =	wrdreg $0xFFFFFFFF  }
0xad: {  	[dreg:$0x0] =	wrdreg $0x60  }
0xae: {  	[dreg:$0x2] =	wrdreg s24  }
0xaf: {  	[dreg:$0x3] =	wrdreg s2  }
0xb0: {  	[dreg:$0x4] =	wrdreg $0x9  }
0xb1: {  	_ =	task.clear_ibuf [dreg:s7], $0x5FFFF;
	_ =	strace $0x90000046  }
0xb2: {  	s29 =	simm.s32 $0x9;
	_ =	strace $0x80000048  }
0xb3: {  	_ =	swait.ge [sflag:s29], $0x1  }
0xb4: {  	[sflag:s29] =	ssyncadd.s32 $0xFFFFFFFF  }
0xb5: {  	_ =	strace $0x90000048  }
0xb6: {  	_ =	sfence  }
0xb7: {  	s30 =	sld [smem:$0x0];
	_ =	sdelay $0x2  }
0xb8: {  	s31 =	sshll.u32 s1, $0xD;
	s1 =	sshrl.u32 s1, $0x2  }
0xb9: {  	s3 =	sand.u32 $0x4000, s31;
	s1 =	sadd.s32 s1, s30  }
0xba: {  	s0 =	sor.u32 s3, s0;
	s1 =	sshll.u32 s1, $0x11  }
0xbb: {  	s0 =	sor.u32 s1, s0  }
0xbc: {  	s0 =	sadd.s32 $0x8F2B, s0  }
0xbd: {  	[sflag:s0] =	ssyncadd.remote.s32 $0x1  }
0xbe: {  	_ =	sfence.sel $0xFFFF  }
0xbf: {  	[dreg:$0x0] =	wrdreg $0xFFFFFFFF;
	(pc) =	sbr.abs _section_cstart, $3  }
0xc0: {  	[dreg:$0x1] =	wrdreg $0xFFFFFFFF  }
0xc1: {  	_ =	task.clear_ibuf [dreg:s7], $0x2FFFF;
	_ =	strace $0x9FFFFFFF  }
0xc2: {  	(tm) =	ssettm $0x7FFFFFFF  }
0xc3: {  	_ =	shalt  }
tec
execute0_lowered:
.L_overlay_start_1:
0x0: {  	(tag) =	ssettag $0x1  }
0x1: {  	s4 =	rddreg [dreg:$0x0]  }
0x2: {  	s1 =	rddreg [dreg:$0x1];
	s2 =	simm.s32 $0x0  }
0x3: {  	[smem:$0x7FF] =	sst s2  }
0x4: {  	s0 =	rddreg [dreg:$0x2];
	v0 =	vimm.f32 $1.000000000e+00;
	_ =	strace $0x80000047  }
0x5: {  	(xrf0) =	vmax.scan.msk.f32 $0xffff, v0;
	_ =	sdelay $0x5  }
0x6: {  	v0, _, _ =	vpop (xrf0)  }
0x7: {  	(v2sf) =	vpush v0, $0xF;
	_ =	sdelay $0x8  }
0x8: {  	s5 =	srdreg.scid;
	s3 =	stileid.u32  }
0x9: {  	s5 =	sand.u32 $0x1, s5;
	s6 =	sshll.u32 s3, $0x1  }
0xa: {  	s6 =	sor.u32 s5, s6  }
.Ltmp0:
0xb: {  	s5 =	ssub.s32 $0x2, s5;
	s7 =	sshll.u32 s6, $0xA;
	(pc) =	sbr.rel .LBB2_1-.Ltmp0, $4  }
0xc: {  	s9 =	simm.s32 $0x2000;
	s8 =	sshrl.u32 s5, $0x1;
	s4 =	sadd.s32 s7, s4  }
0xd: {  	s31 =	ssub.s32 s5, s8;
	s5 =	smul.u32 $0x19000, s6;
	s7 =	simm.s32 $0x2  }
0xe: {  	v1 =	vimm.s32 $0x1;
	s8 =	simm.s32 $0x1;
	s4 =	sadd.s32 $0x400, s4;
	s10 =	spop (v2sf)  }
0xf: {  	vm0 =	vmmov $0xffff;
	v2 =	vimm.f32 $0.0e+00;
	s6 =	smax.u32 s31, $0x1;
	v0 =	vimm.s32 $0x0;
	p0 =	sgt.f32 s10, $0.0e+00;
	s10 =	simm.s32 $0x0  }
.LBB2_39:
0x10: {  	s10 =	sadd.s32 $0x1, s10  }
0x11: {  	_ =	swait.ge [sflag:s8], $0x6400;
	p1 =	sne.s32 s10, s6  }
.Ltmp1:
0x12: {  	[sflag:s8] =	ssyncset.done $0x0;
	(pc) =	sbr.rel @!p1 .LBB2_40-.Ltmp1, $4  }
0x13: {  	[sflag:s8] =	ssyncadd.s32 $0xFFFF9C00  }
0x14: {  	_ =	swait.ge [sflag:s8], $0x6400  }
0x15: {  	[sflag:s8] =	ssyncset.done $0x0  }
0x16: {  	[sflag:s8] =	ssyncadd.s32 $0xFFFF9C00  }
.LBB2_1:
0x17: {  	[tilespmem:s2], [sflag:$0x2] =	stream.linear.gather [hbm4b:s4+s2], $0x2000, $0x38;
	[tilespmem:$0xE800] =	vst v63  }
0x18: {  	_ =	swait.ge [sflag:s7], $0x2000  }
0x19: {  	[sflag:s7] =	ssyncset.done $0x0  }
0x1a: {  	s11 =	simm.s32 $0x0;
	[sflag:s7] =	ssyncadd.s32 $0xFFFFE000  }
.LBB2_2:
0x1b: {  	p1 =	sne.s32 s11, $0x31FC0  }
.Ltmp2:
0x1c: {  	_ = 	snop;
	(pc) =	sbr.rel @p1 .LBB2_2-.Ltmp2, $3  }
0x1d: {  	_ =	sdelay $0x1  }
0x1e: {  	s12 =	sshra.s32 s11, $0x2  }
0x1f: {  	s11 =	sadd.s32 $0x40, s11;
	[tilespmem:s12+$0x2000] =	vst v0  }
.Ltmp3:
0x20: {  	(pc) =	sbr.rel .LBB2_4-.Ltmp3, $2  }
0x21: {  	_ =	sdelay $0x2  }
0x22: {  	s11 =	simm.s32 $0x0;
	s12 =	simm.s32 $0xFFFFF000  }
.LBB2_38:
0x23: {  	s14 =	smul.u32 $0x6400, s11;
	s11 =	sadd.s32 $0x1, s11  }
0x24: {  	p1 =	sne.s32 s11, $0x4  }
.Ltmp4:
0x25: {  	_ = 	snop;
	(pc) =	sbr.rel @!p1 .LBB2_39-.Ltmp4, $4  }
0x26: {  	s14 =	sadd.s32 s5, s14  }
0x27: {  	s14 =	sshrl.u32 s14, $0x3  }
0x28: {  	s13 =	sadd.s32 $0x2000, s13;
	s12 =	sadd.s32 $0x800, s12;
	s14 =	sadd.s32 s1, s14  }
0x29: {  	[hbm4b:s14+s2] =	stream.linear.scatter [tilespmem:s13], [sflag:$0x1], $0x6400, $0x38;
	[tilespmem:$0xE800] =	vst v63  }
.LBB2_4:
0x2a: {  	p2 =	sgt.u32 s11, $0x1  }
.Ltmp5:
0x2b: {  	_ = 	snop;
	(pc) =	sbr.rel @!p2 .LBB2_7-.Ltmp5, $4  }
0x2c: {  	_ = 	snop  }
0x2d: {  	s13 =	sand.u32 $0x1, s11  }
0x2e: {  	p1 =	seq.s32 s13, $0x1;
	s13 =	simm.s32 $0x6400  }
0x2f: {  	s14 =	sshll.u32 s11, $0xD;
	s13 =	simm.s32 @!p1 $0x0  }
0x30: {  	_ =	swait.ge [sflag:s8], $0x6400  }
0x31: {  	[sflag:s8] =	ssyncset.done $0x0  }
0x32: {  	s15 =	simm.s32 $0x0;
	s16 =	smov.u32 s12;
	[sflag:s8] =	ssyncadd.s32 $0xFFFF9C00  }
.LBB2_6:
0x33: {  	v3 =	vld [tilespmem:s16+$0x0];
	_ =	sdelay $0x4  }
0x34: {  	v4 =	vshra.s32 v3, $0x5  }
0x35: {  	s17 =	sadd.s32 s15, s13;
	v3 =	vshrl.u32 v3, $0x2;
	v4 =	vand.u32 $0xFFFFFF80, v4  }
0x36: {  	v3 =	vand.u32 $0x7F, v3;
	v4 =	vadd.s32 s17, v4  }
0x37: {  	v3 =	vor.u32 v3, v4;
	_ =	sdelay $0x4  }
0x38: {  	[tilespmem:v3+s9+$0x0] =	vst.idx.msk $0xffff, v0  }
0x39: {  	v3 =	vld [tilespmem:s16+$0x10];
	_ =	sdelay $0x4  }
0x3a: {  	v52 =	vshra.s32 v3, $0x5  }
0x3b: {  	v3 =	vshrl.u32 v3, $0x2;
	v4 =	vand.u32 $0xFFFFFF80, v52  }
0x3c: {  	v3 =	vand.u32 $0x7F, v3;
	v4 =	vadd.s32 s17, v4  }
0x3d: {  	v3 =	vor.u32 v3, v4;
	_ =	sdelay $0x4  }
0x3e: {  	[tilespmem:v3+s9+$0x0] =	vst.idx.msk $0xffff, v0  }
0x3f: {  	v3 =	vld [tilespmem:s16+$0x20];
	_ =	sdelay $0x4  }
0x40: {  	v53 =	vshra.s32 v3, $0x5  }
0x41: {  	v3 =	vshrl.u32 v3, $0x2;
	v4 =	vand.u32 $0xFFFFFF80, v53  }
0x42: {  	v3 =	vand.u32 $0x7F, v3;
	v4 =	vadd.s32 s17, v4  }
0x43: {  	v3 =	vor.u32 v3, v4;
	_ =	sdelay $0x4  }
0x44: {  	[tilespmem:v3+s9+$0x0] =	vst.idx.msk $0xffff, v0  }
0x45: {  	v3 =	vld [tilespmem:s16+$0x30];
	_ =	sdelay $0x4  }
0x46: {  	v54 =	vshra.s32 v3, $0x5  }
0x47: {  	v3 =	vshrl.u32 v3, $0x2;
	v4 =	vand.u32 $0xFFFFFF80, v54  }
0x48: {  	v3 =	vand.u32 $0x7F, v3;
	v4 =	vadd.s32 s17, v4  }
0x49: {  	v3 =	vor.u32 v3, v4;
	_ =	sdelay $0x4  }
0x4a: {  	[tilespmem:v3+s9+$0x0] =	vst.idx.msk $0xffff, v0  }
0x4b: {  	v3 =	vld [tilespmem:s16+$0x40];
	_ =	sdelay $0x4  }
0x4c: {  	v55 =	vshra.s32 v3, $0x5  }
0x4d: {  	v3 =	vshrl.u32 v3, $0x2;
	v4 =	vand.u32 $0xFFFFFF80, v55  }
0x4e: {  	v3 =	vand.u32 $0x7F, v3;
	v4 =	vadd.s32 s17, v4  }
0x4f: {  	v3 =	vor.u32 v3, v4;
	_ =	sdelay $0x4  }
0x50: {  	[tilespmem:v3+s9+$0x0] =	vst.idx.msk $0xffff, v0  }
0x51: {  	v3 =	vld [tilespmem:s16+$0x50];
	_ =	sdelay $0x4  }
0x52: {  	v56 =	vshra.s32 v3, $0x5  }
0x53: {  	v3 =	vshrl.u32 v3, $0x2;
	v4 =	vand.u32 $0xFFFFFF80, v56  }
0x54: {  	v3 =	vand.u32 $0x7F, v3;
	v4 =	vadd.s32 s17, v4  }
0x55: {  	v3 =	vor.u32 v3, v4;
	_ =	sdelay $0x4  }
0x56: {  	[tilespmem:v3+s9+$0x0] =	vst.idx.msk $0xffff, v0  }
0x57: {  	v3 =	vld [tilespmem:s16+$0x60];
	_ =	sdelay $0x4  }
0x58: {  	v57 =	vshra.s32 v3, $0x5  }
0x59: {  	v3 =	vshrl.u32 v3, $0x2;
	v4 =	vand.u32 $0xFFFFFF80, v57  }
0x5a: {  	v3 =	vand.u32 $0x7F, v3;
	v4 =	vadd.s32 s17, v4  }
0x5b: {  	v3 =	vor.u32 v3, v4;
	_ =	sdelay $0x4  }
0x5c: {  	[tilespmem:v3+s9+$0x0] =	vst.idx.msk $0xffff, v0  }
0x5d: {  	v3 =	vld [tilespmem:s16+$0x70];
	_ =	sdelay $0x4  }
0x5e: {  	v58 =	vshra.s32 v3, $0x5  }
0x5f: {  	v3 =	vshrl.u32 v3, $0x2;
	v4 =	vand.u32 $0xFFFFFF80, v58  }
0x60: {  	v3 =	vand.u32 $0x7F, v3;
	v4 =	vadd.s32 s17, v4  }
0x61: {  	v3 =	vor.u32 v3, v4;
	_ =	sdelay $0x4  }
0x62: {  	[tilespmem:v3+s9+$0x0] =	vst.idx.msk $0xffff, v0  }
0x63: {  	v3 =	vld [tilespmem:s16+$0x400];
	_ =	sdelay $0x4  }
0x64: {  	v59 =	vshra.s32 v3, $0x5  }
0x65: {  	v3 =	vshrl.u32 v3, $0x2;
	v4 =	vand.u32 $0xFFFFFF80, v59  }
0x66: {  	v3 =	vand.u32 $0x7F, v3;
	v4 =	vadd.s32 s17, v4  }
0x67: {  	v3 =	vor.u32 v3, v4;
	_ =	sdelay $0x4  }
0x68: {  	[tilespmem:v3+s9+$0x0] =	vst.idx.msk $0xffff, v0  }
0x69: {  	v3 =	vld [tilespmem:s16+$0x410];
	_ =	sdelay $0x4  }
0x6a: {  	v60 =	vshra.s32 v3, $0x5  }
0x6b: {  	v3 =	vshrl.u32 v3, $0x2;
	v4 =	vand.u32 $0xFFFFFF80, v60  }
0x6c: {  	v3 =	vand.u32 $0x7F, v3;
	v4 =	vadd.s32 s17, v4  }
0x6d: {  	v3 =	vor.u32 v3, v4;
	_ =	sdelay $0x4  }
0x6e: {  	[tilespmem:v3+s9+$0x0] =	vst.idx.msk $0xffff, v0  }
0x6f: {  	v3 =	vld [tilespmem:s16+$0x420];
	_ =	sdelay $0x4  }
0x70: {  	v61 =	vshra.s32 v3, $0x5  }
0x71: {  	v3 =	vshrl.u32 v3, $0x2;
	v4 =	vand.u32 $0xFFFFFF80, v61  }
0x72: {  	v3 =	vand.u32 $0x7F, v3;
	v4 =	vadd.s32 s17, v4  }
0x73: {  	v3 =	vor.u32 v3, v4;
	_ =	sdelay $0x4  }
0x74: {  	[tilespmem:v3+s9+$0x0] =	vst.idx.msk $0xffff, v0  }
0x75: {  	v3 =	vld [tilespmem:s16+$0x430];
	_ =	sdelay $0x4  }
0x76: {  	v62 =	vshra.s32 v3, $0x5  }
0x77: {  	v3 =	vshrl.u32 v3, $0x2;
	v4 =	vand.u32 $0xFFFFFF80, v62  }
0x78: {  	v3 =	vand.u32 $0x7F, v3;
	v4 =	vadd.s32 s17, v4  }
0x79: {  	v3 =	vor.u32 v3, v4;
	_ =	sdelay $0x4  }
0x7a: {  	[tilespmem:v3+s9+$0x0] =	vst.idx.msk $0xffff, v0  }
0x7b: {  	v3 =	vld [tilespmem:s16+$0x440];
	_ =	sdelay $0x4  }
0x7c: {  	v63 =	vshra.s32 v3, $0x5  }
0x7d: {  	v3 =	vshrl.u32 v3, $0x2;
	v4 =	vand.u32 $0xFFFFFF80, v63  }
0x7e: {  	v3 =	vand.u32 $0x7F, v3;
	v4 =	vadd.s32 s17, v4  }
0x7f: {  	p1 =	sne.s32 s15, $0x5780;
	v3 =	vor.u32 v3, v4  }
.Ltmp6:
0x80: {  	_ = 	snop;
	(pc) =	sbr.rel @p1 .LBB2_6-.Ltmp6, $2  }
0x81: {  	_ =	sdelay $0x2  }
0x82: {  	s15 =	sadd.s32 $0xC80, s15;
	s16 =	sadd.s32 $0x80, s16;
	[tilespmem:v3+s9+$0x0] =	vst.idx.msk $0xffff, v0  }
.LBB2_7:
.Ltmp7:
0x83: {  	(pc) =	sbr.rel .LBB2_8-.Ltmp7, $2  }
0x84: {  	_ =	sdelay $0x2  }
0x85: {  	s14 =	sshrl.u32 s14, $0x2;
	s15 =	simm.s32 $0x0  }
.LBB2_37:
0x86: {  	s15 =	sadd.s32 $0x1, s15  }
0x87: {  	p1 =	sne.s32 s15, $0x8  }
.Ltmp8:
0x88: {  	_ = 	snop;
	(pc) =	sbr.rel @!p1 .LBB2_38-.Ltmp8, $1  }
0x89: {  	_ =	sdelay $0x3  }
.LBB2_8:
.Ltmp9:
0x8a: {  	(pc) =	sbr.rel @!p0 .LBB2_25-.Ltmp9, $4  }
0x8b: {  	s16 =	smul.u32 $0xC80, s15  }
0x8c: {  	s17 =	sshll.u32 s15, $0x7  }
0x8d: {  	s17 =	sand.u32 $0x3FFFFF80, s17;
	s18 =	sadd.s32 s13, s16  }
0x8e: {  	s16 =	sadd.s32 s17, s14;
	v3 =	vmov s18  }
0x8f: {  	v4 =	vld [tilespmem:s16+$0x0];
	_ =	sdelay $0x4  }
0x90: {  	v5 =	vshll.u32 v4, $0x3  }
0x91: {  	v6 =	vshrl.u32 v4, $0x9;
	v7 =	vshra.s32 v4, $0x5;
	v4 =	vshrl.u32 v4, $0x2  }
0x92: {  	v5 =	vand.u32 $0x18, v5;
	v6 =	vand.u32 $0x7, v6;
	v7 =	vand.u32 $0xFFFFFF80, v7  }
0x93: {  	v5 =	vor.u32 v6, v5;
	v6 =	vadd.s32 v3, v7;
	v7 =	vand.u32 $0x7F, v4  }
0x94: {  	v4 =	vshll.u32 v1, v5;
	v5 =	vor.u32 v7, v6;
	_ =	sdelay $0x3  }
0x95: {  	vm1 =	vmmov vm0  }
.LBB2_10:
0x96: {  	v6 =	vld.idx.msk [tilespmem:v5+s9+$0x0], $0xffff;
	_ =	sdelay $0x4  }
0x97: {  	v6 =	vor.u32 v4, v6  }
0x98: {  	[tilespmem:v5+s9+$0x0] =	vst.idx.msk vm1, v6  }
0x99: {  	v6 =	vld.idx.msk [tilespmem:v5+s9+$0x0], $0xffff;
	_ =	sdelay $0x4  }
0x9a: {  	v6 =	vand.u32 v4, v6  }
0x9b: {  	vm2 =	veq.s32 v6, $0x0  }
0x9c: {  	vm1 =	vmand vm1, vm2  }
0x9d: {  	v6 =	vsel vm1, $0x3F800000, v2  }
0x9e: {  	(xrf0) =	vmax.scan.msk.f32 $0xffff, v6;
	_ =	sdelay $0x5  }
0x9f: {  	v6, _, _ =	vpop (xrf0)  }
0xa0: {  	(v2sf) =	vpush v6, $0xF;
	_ =	sdelay $0xe  }
0xa1: {  	s17 =	spop (v2sf)  }
0xa2: {  	p1 =	sgt.f32 s17, $0.0e+00  }
.Ltmp10:
0xa3: {  	_ = 	snop;
	(pc) =	sbr.rel @p1 .LBB2_10-.Ltmp10, $1  }
0xa4: {  	_ =	sdelay $0x3  }
0xa5: {  	v4 =	vld [tilespmem:s16+$0x10];
	_ =	sdelay $0x4  }
0xa6: {  	v5 =	vshll.u32 v4, $0x3  }
0xa7: {  	v6 =	vshrl.u32 v4, $0x9;
	v7 =	vshra.s32 v4, $0x5;
	v4 =	vshrl.u32 v4, $0x2  }
0xa8: {  	v5 =	vand.u32 $0x18, v5;
	v6 =	vand.u32 $0x7, v6;
	v7 =	vand.u32 $0xFFFFFF80, v7  }
0xa9: {  	v5 =	vor.u32 v6, v5;
	v6 =	vadd.s32 v3, v7;
	v7 =	vand.u32 $0x7F, v4  }
0xaa: {  	v4 =	vshll.u32 v1, v5;
	v5 =	vor.u32 v7, v6;
	_ =	sdelay $0x3  }
0xab: {  	vm1 =	vmmov vm0  }
.LBB2_12:
0xac: {  	v6 =	vld.idx.msk [tilespmem:v5+s9+$0x0], $0xffff;
	_ =	sdelay $0x4  }
0xad: {  	v6 =	vor.u32 v4, v6  }
0xae: {  	[tilespmem:v5+s9+$0x0] =	vst.idx.msk vm1, v6  }
0xaf: {  	v6 =	vld.idx.msk [tilespmem:v5+s9+$0x0], $0xffff;
	_ =	sdelay $0x4  }
0xb0: {  	v6 =	vand.u32 v4, v6  }
0xb1: {  	vm2 =	veq.s32 v6, $0x0  }
0xb2: {  	vm1 =	vmand vm1, vm2  }
0xb3: {  	v6 =	vsel vm1, $0x3F800000, v2  }
0xb4: {  	(xrf0) =	vmax.scan.msk.f32 $0xffff, v6;
	_ =	sdelay $0x5  }
0xb5: {  	v6, _, _ =	vpop (xrf0)  }
0xb6: {  	(v2sf) =	vpush v6, $0xF;
	_ =	sdelay $0xe  }
0xb7: {  	s17 =	spop (v2sf)  }
0xb8: {  	p1 =	sgt.f32 s17, $0.0e+00  }
.Ltmp11:
0xb9: {  	_ = 	snop;
	(pc) =	sbr.rel @p1 .LBB2_12-.Ltmp11, $1  }
0xba: {  	_ =	sdelay $0x3  }
0xbb: {  	v4 =	vld [tilespmem:s16+$0x20];
	_ =	sdelay $0x4  }
0xbc: {  	v5 =	vshll.u32 v4, $0x3  }
0xbd: {  	v6 =	vshrl.u32 v4, $0x9;
	v7 =	vshra.s32 v4, $0x5;
	v4 =	vshrl.u32 v4, $0x2  }
0xbe: {  	v5 =	vand.u32 $0x18, v5;
	v6 =	vand.u32 $0x7, v6;
	v7 =	vand.u32 $0xFFFFFF80, v7  }
0xbf: {  	v5 =	vor.u32 v6, v5;
	v6 =	vadd.s32 v3, v7;
	v7 =	vand.u32 $0x7F, v4  }
0xc0: {  	v4 =	vshll.u32 v1, v5;
	v5 =	vor.u32 v7, v6;
	_ =	sdelay $0x3  }
0xc1: {  	vm1 =	vmmov vm0  }
.LBB2_14:
0xc2: {  	v6 =	vld.idx.msk [tilespmem:v5+s9+$0x0], $0xffff;
	_ =	sdelay $0x4  }
0xc3: {  	v6 =	vor.u32 v4, v6  }
0xc4: {  	[tilespmem:v5+s9+$0x0] =	vst.idx.msk vm1, v6  }
0xc5: {  	v6 =	vld.idx.msk [tilespmem:v5+s9+$0x0], $0xffff;
	_ =	sdelay $0x4  }
0xc6: {  	v6 =	vand.u32 v4, v6  }
0xc7: {  	vm2 =	veq.s32 v6, $0x0  }
0xc8: {  	vm1 =	vmand vm1, vm2  }
0xc9: {  	v6 =	vsel vm1, $0x3F800000, v2  }
0xca: {  	(xrf0) =	vmax.scan.msk.f32 $0xffff, v6;
	_ =	sdelay $0x5  }
0xcb: {  	v6, _, _ =	vpop (xrf0)  }
0xcc: {  	(v2sf) =	vpush v6, $0xF;
	_ =	sdelay $0xe  }
0xcd: {  	s17 =	spop (v2sf)  }
0xce: {  	p1 =	sgt.f32 s17, $0.0e+00  }
.Ltmp12:
0xcf: {  	_ = 	snop;
	(pc) =	sbr.rel @p1 .LBB2_14-.Ltmp12, $1  }
0xd0: {  	_ =	sdelay $0x3  }
0xd1: {  	v4 =	vld [tilespmem:s16+$0x30];
	_ =	sdelay $0x4  }
0xd2: {  	v5 =	vshll.u32 v4, $0x3  }
0xd3: {  	v6 =	vshrl.u32 v4, $0x9;
	v7 =	vshra.s32 v4, $0x5;
	v4 =	vshrl.u32 v4, $0x2  }
0xd4: {  	v5 =	vand.u32 $0x18, v5;
	v6 =	vand.u32 $0x7, v6;
	v7 =	vand.u32 $0xFFFFFF80, v7  }
0xd5: {  	v5 =	vor.u32 v6, v5;
	v6 =	vadd.s32 v3, v7;
	v7 =	vand.u32 $0x7F, v4  }
0xd6: {  	v4 =	vshll.u32 v1, v5;
	v5 =	vor.u32 v7, v6;
	_ =	sdelay $0x3  }
0xd7: {  	vm1 =	vmmov vm0  }
.LBB2_16:
0xd8: {  	v6 =	vld.idx.msk [tilespmem:v5+s9+$0x0], $0xffff;
	_ =	sdelay $0x4  }
0xd9: {  	v6 =	vor.u32 v4, v6  }
0xda: {  	[tilespmem:v5+s9+$0x0] =	vst.idx.msk vm1, v6  }
0xdb: {  	v6 =	vld.idx.msk [tilespmem:v5+s9+$0x0], $0xffff;
	_ =	sdelay $0x4  }
0xdc: {  	v6 =	vand.u32 v4, v6  }
0xdd: {  	vm2 =	veq.s32 v6, $0x0  }
0xde: {  	vm1 =	vmand vm1, vm2  }
0xdf: {  	v6 =	vsel vm1, $0x3F800000, v2  }
0xe0: {  	(xrf0) =	vmax.scan.msk.f32 $0xffff, v6;
	_ =	sdelay $0x5  }
0xe1: {  	v6, _, _ =	vpop (xrf0)  }
0xe2: {  	(v2sf) =	vpush v6, $0xF;
	_ =	sdelay $0xe  }
0xe3: {  	s17 =	spop (v2sf)  }
0xe4: {  	p1 =	sgt.f32 s17, $0.0e+00  }
.Ltmp13:
0xe5: {  	_ = 	snop;
	(pc) =	sbr.rel @p1 .LBB2_16-.Ltmp13, $1  }
0xe6: {  	_ =	sdelay $0x3  }
0xe7: {  	v4 =	vld [tilespmem:s16+$0x40];
	_ =	sdelay $0x4  }
0xe8: {  	v5 =	vshll.u32 v4, $0x3  }
0xe9: {  	v6 =	vshrl.u32 v4, $0x9;
	v7 =	vshra.s32 v4, $0x5;
	v4 =	vshrl.u32 v4, $0x2  }
0xea: {  	v5 =	vand.u32 $0x18, v5;
	v6 =	vand.u32 $0x7, v6;
	v7 =	vand.u32 $0xFFFFFF80, v7  }
0xeb: {  	v5 =	vor.u32 v6, v5;
	v6 =	vadd.s32 v3, v7;
	v7 =	vand.u32 $0x7F, v4  }
0xec: {  	v4 =	vshll.u32 v1, v5;
	v5 =	vor.u32 v7, v6;
	_ =	sdelay $0x3  }
0xed: {  	vm1 =	vmmov vm0  }
.LBB2_18:
0xee: {  	v6 =	vld.idx.msk [tilespmem:v5+s9+$0x0], $0xffff;
	_ =	sdelay $0x4  }
0xef: {  	v6 =	vor.u32 v4, v6  }
0xf0: {  	[tilespmem:v5+s9+$0x0] =	vst.idx.msk vm1, v6  }
0xf1: {  	v6 =	vld.idx.msk [tilespmem:v5+s9+$0x0], $0xffff;
	_ =	sdelay $0x4  }
0xf2: {  	v6 =	vand.u32 v4, v6  }
0xf3: {  	vm2 =	veq.s32 v6, $0x0  }
0xf4: {  	vm1 =	vmand vm1, vm2  }
0xf5: {  	v6 =	vsel vm1, $0x3F800000, v2  }
0xf6: {  	(xrf0) =	vmax.scan.msk.f32 $0xffff, v6;
	_ =	sdelay $0x5  }
0xf7: {  	v6, _, _ =	vpop (xrf0)  }
0xf8: {  	(v2sf) =	vpush v6, $0xF;
	_ =	sdelay $0xe  }
0xf9: {  	s17 =	spop (v2sf)  }
0xfa: {  	p1 =	sgt.f32 s17, $0.0e+00  }
.Ltmp14:
0xfb: {  	_ = 	snop;
	(pc) =	sbr.rel @p1 .LBB2_18-.Ltmp14, $1  }
0xfc: {  	_ =	sdelay $0x3  }
0xfd: {  	v4 =	vld [tilespmem:s16+$0x50];
	_ =	sdelay $0x4  }
0xfe: {  	v5 =	vshll.u32 v4, $0x3  }
0xff: {  	v6 =	vshrl.u32 v4, $0x9;
	v7 =	vshra.s32 v4, $0x5;
	v4 =	vshrl.u32 v4, $0x2  }
0x100: {  	v5 =	vand.u32 $0x18, v5;
	v6 =	vand.u32 $0x7, v6;
	v7 =	vand.u32 $0xFFFFFF80, v7  }
0x101: {  	v5 =	vor.u32 v6, v5;
	v6 =	vadd.s32 v3, v7;
	v7 =	vand.u32 $0x7F, v4  }
0x102: {  	v4 =	vshll.u32 v1, v5;
	v5 =	vor.u32 v7, v6;
	_ =	sdelay $0x3  }
0x103: {  	vm1 =	vmmov vm0  }
.LBB2_20:
0x104: {  	v6 =	vld.idx.msk [tilespmem:v5+s9+$0x0], $0xffff;
	_ =	sdelay $0x4  }
0x105: {  	v6 =	vor.u32 v4, v6  }
0x106: {  	[tilespmem:v5+s9+$0x0] =	vst.idx.msk vm1, v6  }
0x107: {  	v6 =	vld.idx.msk [tilespmem:v5+s9+$0x0], $0xffff;
	_ =	sdelay $0x4  }
0x108: {  	v6 =	vand.u32 v4, v6  }
0x109: {  	vm2 =	veq.s32 v6, $0x0  }
0x10a: {  	vm1 =	vmand vm1, vm2  }
0x10b: {  	v6 =	vsel vm1, $0x3F800000, v2  }
0x10c: {  	(xrf0) =	vmax.scan.msk.f32 $0xffff, v6;
	_ =	sdelay $0x5  }
0x10d: {  	v6, _, _ =	vpop (xrf0)  }
0x10e: {  	(v2sf) =	vpush v6, $0xF;
	_ =	sdelay $0xe  }
0x10f: {  	s17 =	spop (v2sf)  }
0x110: {  	p1 =	sgt.f32 s17, $0.0e+00  }
.Ltmp15:
0x111: {  	_ = 	snop;
	(pc) =	sbr.rel @p1 .LBB2_20-.Ltmp15, $1  }
0x112: {  	_ =	sdelay $0x3  }
0x113: {  	v4 =	vld [tilespmem:s16+$0x60];
	_ =	sdelay $0x4  }
0x114: {  	v5 =	vshll.u32 v4, $0x3  }
0x115: {  	v6 =	vshrl.u32 v4, $0x9;
	v7 =	vshra.s32 v4, $0x5;
	v4 =	vshrl.u32 v4, $0x2  }
0x116: {  	v5 =	vand.u32 $0x18, v5;
	v6 =	vand.u32 $0x7, v6;
	v7 =	vand.u32 $0xFFFFFF80, v7  }
0x117: {  	v5 =	vor.u32 v6, v5;
	v6 =	vadd.s32 v3, v7;
	v7 =	vand.u32 $0x7F, v4  }
0x118: {  	v4 =	vshll.u32 v1, v5;
	v5 =	vor.u32 v7, v6;
	_ =	sdelay $0x3  }
0x119: {  	vm1 =	vmmov vm0  }
.LBB2_22:
0x11a: {  	v6 =	vld.idx.msk [tilespmem:v5+s9+$0x0], $0xffff;
	_ =	sdelay $0x4  }
0x11b: {  	v6 =	vor.u32 v4, v6  }
0x11c: {  	[tilespmem:v5+s9+$0x0] =	vst.idx.msk vm1, v6  }
0x11d: {  	v6 =	vld.idx.msk [tilespmem:v5+s9+$0x0], $0xffff;
	_ =	sdelay $0x4  }
0x11e: {  	v6 =	vand.u32 v4, v6  }
0x11f: {  	vm2 =	veq.s32 v6, $0x0  }
0x120: {  	vm1 =	vmand vm1, vm2  }
0x121: {  	v6 =	vsel vm1, $0x3F800000, v2  }
0x122: {  	(xrf0) =	vmax.scan.msk.f32 $0xffff, v6;
	_ =	sdelay $0x5  }
0x123: {  	v6, _, _ =	vpop (xrf0)  }
0x124: {  	(v2sf) =	vpush v6, $0xF;
	_ =	sdelay $0xe  }
0x125: {  	s17 =	spop (v2sf)  }
0x126: {  	p1 =	sgt.f32 s17, $0.0e+00  }
.Ltmp16:
0x127: {  	_ = 	snop;
	(pc) =	sbr.rel @p1 .LBB2_22-.Ltmp16, $1  }
0x128: {  	_ =	sdelay $0x3  }
0x129: {  	v4 =	vld [tilespmem:s16+$0x70];
	_ =	sdelay $0x4  }
0x12a: {  	v5 =	vshll.u32 v4, $0x3  }
0x12b: {  	v6 =	vshrl.u32 v4, $0x9;
	v7 =	vshra.s32 v4, $0x5;
	v4 =	vshrl.u32 v4, $0x2  }
0x12c: {  	v5 =	vand.u32 $0x18, v5;
	v6 =	vand.u32 $0x7, v6;
	v7 =	vand.u32 $0xFFFFFF80, v7  }
0x12d: {  	v5 =	vor.u32 v6, v5;
	v6 =	vadd.s32 v3, v7;
	v7 =	vand.u32 $0x7F, v4  }
0x12e: {  	v4 =	vshll.u32 v1, v5;
	v5 =	vor.u32 v7, v6;
	_ =	sdelay $0x3  }
0x12f: {  	vm1 =	vmmov vm0  }
.LBB2_24:
0x130: {  	v6 =	vld.idx.msk [tilespmem:v5+s9+$0x0], $0xffff;
	_ =	sdelay $0x4  }
0x131: {  	v6 =	vor.u32 v4, v6  }
0x132: {  	[tilespmem:v5+s9+$0x0] =	vst.idx.msk vm1, v6  }
0x133: {  	v6 =	vld.idx.msk [tilespmem:v5+s9+$0x0], $0xffff;
	_ =	sdelay $0x4  }
0x134: {  	v6 =	vand.u32 v4, v6  }
0x135: {  	vm2 =	veq.s32 v6, $0x0  }
0x136: {  	vm1 =	vmand vm1, vm2  }
0x137: {  	v6 =	vsel vm1, $0x3F800000, v2  }
0x138: {  	(xrf0) =	vmax.scan.msk.f32 $0xffff, v6;
	_ =	sdelay $0x5  }
0x139: {  	v6, _, _ =	vpop (xrf0)  }
0x13a: {  	(v2sf) =	vpush v6, $0xF;
	_ =	sdelay $0xe  }
0x13b: {  	s17 =	spop (v2sf)  }
0x13c: {  	p1 =	sgt.f32 s17, $0.0e+00  }
.Ltmp17:
0x13d: {  	_ = 	snop;
	(pc) =	sbr.rel @p1 .LBB2_24-.Ltmp17, $1  }
0x13e: {  	_ =	sdelay $0x3  }
.LBB2_25:
.Ltmp18:
0x13f: {  	(pc) =	sbr.rel @!p0 .LBB2_37-.Ltmp18, $1  }
0x140: {  	_ =	sdelay $0x3  }
0x141: {  	v4 =	vld [tilespmem:s16+$0x400];
	_ =	sdelay $0x4  }
0x142: {  	v5 =	vshll.u32 v4, $0x3  }
0x143: {  	v6 =	vshrl.u32 v4, $0x9;
	v7 =	vshra.s32 v4, $0x5;
	v4 =	vshrl.u32 v4, $0x2  }
0x144: {  	v5 =	vand.u32 $0x18, v5;
	v6 =	vand.u32 $0x7, v6;
	v7 =	vand.u32 $0xFFFFFF80, v7  }
0x145: {  	v5 =	vor.u32 v6, v5;
	v6 =	vadd.s32 v3, v7;
	v7 =	vand.u32 $0x7F, v4  }
0x146: {  	v4 =	vshll.u32 v1, v5;
	v5 =	vor.u32 v7, v6;
	_ =	sdelay $0x3  }
0x147: {  	vm1 =	vmmov vm0  }
.LBB2_27:
0x148: {  	v6 =	vld.idx.msk [tilespmem:v5+s9+$0x0], $0xffff;
	_ =	sdelay $0x4  }
0x149: {  	v6 =	vor.u32 v4, v6  }
0x14a: {  	[tilespmem:v5+s9+$0x0] =	vst.idx.msk vm1, v6  }
0x14b: {  	v6 =	vld.idx.msk [tilespmem:v5+s9+$0x0], $0xffff;
	_ =	sdelay $0x4  }
0x14c: {  	v6 =	vand.u32 v4, v6  }
0x14d: {  	vm2 =	veq.s32 v6, $0x0  }
0x14e: {  	vm1 =	vmand vm1, vm2  }
0x14f: {  	v6 =	vsel vm1, $0x3F800000, v2  }
0x150: {  	(xrf0) =	vmax.scan.msk.f32 $0xffff, v6;
	_ =	sdelay $0x5  }
0x151: {  	v6, _, _ =	vpop (xrf0)  }
0x152: {  	(v2sf) =	vpush v6, $0xF;
	_ =	sdelay $0xe  }
0x153: {  	s17 =	spop (v2sf)  }
0x154: {  	p1 =	sgt.f32 s17, $0.0e+00  }
.Ltmp19:
0x155: {  	_ = 	snop;
	(pc) =	sbr.rel @p1 .LBB2_27-.Ltmp19, $1  }
0x156: {  	_ =	sdelay $0x3  }
0x157: {  	v4 =	vld [tilespmem:s16+$0x410];
	_ =	sdelay $0x4  }
0x158: {  	v5 =	vshll.u32 v4, $0x3  }
0x159: {  	v6 =	vshrl.u32 v4, $0x9;
	v7 =	vshra.s32 v4, $0x5;
	v4 =	vshrl.u32 v4, $0x2  }
0x15a: {  	v5 =	vand.u32 $0x18, v5;
	v6 =	vand.u32 $0x7, v6;
	v7 =	vand.u32 $0xFFFFFF80, v7  }
0x15b: {  	v5 =	vor.u32 v6, v5;
	v6 =	vadd.s32 v3, v7;
	v7 =	vand.u32 $0x7F, v4  }
0x15c: {  	v4 =	vshll.u32 v1, v5;
	v5 =	vor.u32 v7, v6;
	_ =	sdelay $0x3  }
0x15d: {  	vm1 =	vmmov vm0  }
.LBB2_29:
0x15e: {  	v6 =	vld.idx.msk [tilespmem:v5+s9+$0x0], $0xffff;
	_ =	sdelay $0x4  }
0x15f: {  	v6 =	vor.u32 v4, v6  }
0x160: {  	[tilespmem:v5+s9+$0x0] =	vst.idx.msk vm1, v6  }
0x161: {  	v6 =	vld.idx.msk [tilespmem:v5+s9+$0x0], $0xffff;
	_ =	sdelay $0x4  }
0x162: {  	v6 =	vand.u32 v4, v6  }
0x163: {  	vm2 =	veq.s32 v6, $0x0  }
0x164: {  	vm1 =	vmand vm1, vm2  }
0x165: {  	v6 =	vsel vm1, $0x3F800000, v2  }
0x166: {  	(xrf0) =	vmax.scan.msk.f32 $0xffff, v6;
	_ =	sdelay $0x5  }
0x167: {  	v6, _, _ =	vpop (xrf0)  }
0x168: {  	(v2sf) =	vpush v6, $0xF;
	_ =	sdelay $0xe  }
0x169: {  	s17 =	spop (v2sf)  }
0x16a: {  	p1 =	sgt.f32 s17, $0.0e+00  }
.Ltmp20:
0x16b: {  	_ = 	snop;
	(pc) =	sbr.rel @p1 .LBB2_29-.Ltmp20, $1  }
0x16c: {  	_ =	sdelay $0x3  }
0x16d: {  	v4 =	vld [tilespmem:s16+$0x420];
	_ =	sdelay $0x4  }
0x16e: {  	v5 =	vshll.u32 v4, $0x3  }
0x16f: {  	v6 =	vshrl.u32 v4, $0x9;
	v7 =	vshra.s32 v4, $0x5;
	v4 =	vshrl.u32 v4, $0x2  }
0x170: {  	v5 =	vand.u32 $0x18, v5;
	v6 =	vand.u32 $0x7, v6;
	v7 =	vand.u32 $0xFFFFFF80, v7  }
0x171: {  	v5 =	vor.u32 v6, v5;
	v6 =	vadd.s32 v3, v7;
	v7 =	vand.u32 $0x7F, v4  }
0x172: {  	v4 =	vshll.u32 v1, v5;
	v5 =	vor.u32 v7, v6;
	_ =	sdelay $0x3  }
0x173: {  	vm1 =	vmmov $0xffff  }
.LBB2_31:
0x174: {  	v6 =	vld.idx.msk [tilespmem:v5+s9+$0x0], $0xffff;
	_ =	sdelay $0x4  }
0x175: {  	v6 =	vor.u32 v4, v6  }
0x176: {  	[tilespmem:v5+s9+$0x0] =	vst.idx.msk vm1, v6  }
0x177: {  	v6 =	vld.idx.msk [tilespmem:v5+s9+$0x0], $0xffff;
	_ =	sdelay $0x4  }
0x178: {  	v6 =	vand.u32 v4, v6  }
0x179: {  	vm2 =	veq.s32 v6, $0x0  }
0x17a: {  	vm1 =	vmand vm1, vm2  }
0x17b: {  	v6 =	vsel vm1, $0x3F800000, v2  }
0x17c: {  	(xrf0) =	vmax.scan.msk.f32 $0xffff, v6;
	_ =	sdelay $0x5  }
0x17d: {  	v6, _, _ =	vpop (xrf0)  }
0x17e: {  	(v2sf) =	vpush v6, $0xF;
	_ =	sdelay $0xe  }
0x17f: {  	s17 =	spop (v2sf)  }
0x180: {  	p1 =	sgt.f32 s17, $0.0e+00  }
.Ltmp21:
0x181: {  	_ = 	snop;
	(pc) =	sbr.rel @p1 .LBB2_31-.Ltmp21, $1  }
0x182: {  	_ =	sdelay $0x3  }
0x183: {  	v4 =	vld [tilespmem:s16+$0x430];
	_ =	sdelay $0x4  }
0x184: {  	v5 =	vshll.u32 v4, $0x3  }
0x185: {  	v6 =	vshrl.u32 v4, $0x9;
	v7 =	vshra.s32 v4, $0x5;
	v4 =	vshrl.u32 v4, $0x2  }
0x186: {  	v5 =	vand.u32 $0x18, v5;
	v6 =	vand.u32 $0x7, v6;
	v7 =	vand.u32 $0xFFFFFF80, v7  }
0x187: {  	v5 =	vor.u32 v6, v5;
	v6 =	vadd.s32 v3, v7;
	v7 =	vand.u32 $0x7F, v4  }
0x188: {  	v4 =	vshll.u32 v1, v5;
	v5 =	vor.u32 v7, v6;
	_ =	sdelay $0x3  }
0x189: {  	vm1 =	vmmov $0xffff  }
.LBB2_33:
0x18a: {  	v6 =	vld.idx.msk [tilespmem:v5+s9+$0x0], $0xffff;
	_ =	sdelay $0x4  }
0x18b: {  	v6 =	vor.u32 v4, v6  }
0x18c: {  	[tilespmem:v5+s9+$0x0] =	vst.idx.msk vm1, v6  }
0x18d: {  	v6 =	vld.idx.msk [tilespmem:v5+s9+$0x0], $0xffff;
	_ =	sdelay $0x4  }
0x18e: {  	v6 =	vand.u32 v4, v6  }
0x18f: {  	vm2 =	veq.s32 v6, $0x0  }
0x190: {  	vm1 =	vmand vm1, vm2  }
0x191: {  	v6 =	vsel vm1, $0x3F800000, v2  }
0x192: {  	(xrf0) =	vmax.scan.msk.f32 $0xffff, v6;
	_ =	sdelay $0x5  }
0x193: {  	v6, _, _ =	vpop (xrf0)  }
0x194: {  	(v2sf) =	vpush v6, $0xF;
	_ =	sdelay $0xe  }
0x195: {  	s17 =	spop (v2sf)  }
0x196: {  	p1 =	sgt.f32 s17, $0.0e+00  }
.Ltmp22:
0x197: {  	_ = 	snop;
	(pc) =	sbr.rel @p1 .LBB2_33-.Ltmp22, $1  }
0x198: {  	_ =	sdelay $0x3  }
.Ltmp23:
0x199: {  	(pc) =	sbr.rel @!p0 .LBB2_37-.Ltmp23, $1  }
0x19a: {  	_ =	sdelay $0x3  }
0x19b: {  	v4 =	vld [tilespmem:s16+$0x440];
	_ =	sdelay $0x4  }
0x19c: {  	v5 =	vshll.u32 v4, $0x3  }
0x19d: {  	v6 =	vshrl.u32 v4, $0x9;
	v7 =	vshra.s32 v4, $0x5;
	v4 =	vshrl.u32 v4, $0x2  }
0x19e: {  	v5 =	vand.u32 $0x18, v5;
	v6 =	vand.u32 $0x7, v6;
	v7 =	vand.u32 $0xFFFFFF80, v7  }
0x19f: {  	v4 =	vand.u32 $0x7F, v4;
	v5 =	vor.u32 v6, v5;
	v6 =	vadd.s32 v3, v7  }
0x1a0: {  	v4 =	vor.u32 v4, v6;
	_ =	sdelay $0x3  }
0x1a1: {  	vm1 =	vmmov $0xffff;
	v3 =	vshll.u32 v1, v5  }
.LBB2_36:
0x1a2: {  	v5 =	vld.idx.msk [tilespmem:v4+s9+$0x0], $0xffff;
	_ =	sdelay $0x4  }
0x1a3: {  	v5 =	vor.u32 v3, v5  }
0x1a4: {  	[tilespmem:v4+s9+$0x0] =	vst.idx.msk vm1, v5  }
0x1a5: {  	v5 =	vld.idx.msk [tilespmem:v4+s9+$0x0], $0xffff;
	_ =	sdelay $0x4  }
0x1a6: {  	v5 =	vand.u32 v3, v5  }
0x1a7: {  	vm2 =	veq.s32 v5, $0x0  }
0x1a8: {  	vm1 =	vmand vm1, vm2  }
0x1a9: {  	v5 =	vsel vm1, $0x3F800000, v2  }
0x1aa: {  	(xrf0) =	vmax.scan.msk.f32 $0xffff, v5;
	_ =	sdelay $0x5  }
0x1ab: {  	v5, _, _ =	vpop (xrf0)  }
0x1ac: {  	(v2sf) =	vpush v5, $0xF;
	_ =	sdelay $0xe  }
0x1ad: {  	s16 =	spop (v2sf)  }
0x1ae: {  	p1 =	sgt.f32 s16, $0.0e+00  }
.Ltmp24:
0x1af: {  	_ = 	snop;
	(pc) =	sbr.rel @p1 .LBB2_36-.Ltmp24, $1  }
0x1b0: {  	_ =	sdelay $0x3  }
.Ltmp25:
0x1b1: {  	_ = 	snop;
	(pc) =	sbr.rel .LBB2_37-.Ltmp25, $1  }
0x1b2: {  	_ =	sdelay $0x3  }
.LBB2_40:
0x1b3: {  	_ =	sfence.sel $0x180000  }
0x1b4: {  	[bflag:$0x0] =	sbarrier.arrive $0xFFFF  }
0x1b5: {  	p0 =	sne.s32 s3, $0x0;
	_ =	strace $0x90000047  }
0x1b6: {  	s0 =	sadd.s32 @!p0 $0x100000, s0;
	[bflag:$0x2] =	sbarrier.arrive $0xFFFF  }
0x1b7: {  	[sflag:s0] =	ssyncadd.tile.s32 @!p0 $0x1;
	_ =	shalt  }
.Lfunc_end2:
_tile_overlayer_lowered:
.L_overlay_start_2:
0x1b8: {  	(tag) =	ssettag $0x2  }
0x1b9: {  	s0 =	rddreg [dreg:$0x0];
	s2 =	stileid.u32  }
0x1ba: {  	s1 =	rddreg [dreg:$0x1];
	p0 =	sne.s32 s2, $0x0  }
0x1bb: {  	s3 =	rddreg [dreg:$0x2];
	[bflag:$0x3] =	sbarrier.arrive $0xFFFF;
	s2 =	simm.s32 @!p0 $0x1C02  }
0x1bc: {  	[timem:s3], [sflag:s2] =	dma.local @!p0 [hbm:s0], s1  }
0x1bd: {  	s0 =	simm.s32 @!p0 $0x2  }
0x1be: {  	_ =	swait.ge @!p0 [sflag:s0], s1  }
0x1bf: {  	s1 =	ssub.s32 @!p0 $0x0, s1;
	[sflag:s0] =	ssyncset.done @!p0 $0x0  }
0x1c0: {  	[sflag:s0] =	ssyncadd.s32 @!p0 s1  }
0x1c1: {  	[bflag:$0x3] =	sbarrier.arrive $0xFFFF  }
0x1c2: {  	_ =	shalt  }

</sc_bundles>
